<compile_context>
chip_gen: v7x
topology: tpu7x:2x2x1
jax: 0.10.2.dev20260603
libtpu: 0.0.44.dev20260713+nightly
codegen_flags: <defaults>
</compile_context>

<pallas_src>
import functools

import jax
import jax.numpy as jnp
from jax import lax
from jax.experimental import pallas as pl
from jax.experimental.pallas import tpu as pltpu
from jax.experimental.pallas import tpu_sc as plsc

NUM_EMB = 1_000_000
DIM = 64
BATCH = 16384
HIST = 20
B_TOTAL = BATCH * HIST
NW = 32
B_PER_W = B_TOTAL // NW
CHUNK = 128
NCHUNK = B_PER_W // CHUNK
NBUF = 8
NGROUP = NCHUNK // NBUF


def _make_kernel():
    mesh = plsc.VectorSubcoreMesh(core_axis_name="c", subcore_axis_name="s")

    @functools.partial(
        pl.kernel,
        mesh=mesh,
        out_type=jax.ShapeDtypeStruct((B_TOTAL, DIM), jnp.float32),
        scratch_types=[
            pltpu.VMEM((NCHUNK, CHUNK), jnp.int32),
            pltpu.VMEM((NBUF, CHUNK, DIM), jnp.float32),
            pltpu.SemaphoreType.DMA((NBUF,)),
            pltpu.SemaphoreType.DMA((NBUF,)),
        ],
        compiler_params=pltpu.CompilerParams(use_tc_tiling_on_sc=False),
    )
    def gather_kernel(idx_hbm, table_hbm, out_hbm, idx_v, rows_v, gsem, ssem):
        wid = lax.axis_index("s") * 2 + lax.axis_index("c")
        base = wid * B_PER_W
        pltpu.sync_copy(idx_hbm.at[wid], idx_v)

        def group(g, carry):
            j0 = g * NBUF
            descs = []
            for b in range(NBUF):
                @pl.when(g > 0)
                def _wait_store(b=b):
                    pltpu.make_async_copy(
                        rows_v.at[b],
                        out_hbm.at[pl.ds(base, CHUNK)],
                        ssem.at[b],
                    ).wait()
                descs.append(
                    pltpu.async_copy(
                        table_hbm.at[idx_v.at[j0 + b]], rows_v.at[b], gsem.at[b]
                    )
                )
            for b in range(NBUF):
                descs[b].wait()
                pltpu.async_copy(
                    rows_v.at[b],
                    out_hbm.at[pl.ds(base + (j0 + b) * CHUNK, CHUNK)],
                    ssem.at[b],
                )
            return carry

        lax.fori_loop(0, NGROUP, group, 0)
        for b in range(NBUF):
            pltpu.make_async_copy(
                rows_v.at[b],
                out_hbm.at[pl.ds(base, CHUNK)],
                ssem.at[b],
            ).wait()

    return gather_kernel


_gather = _make_kernel()


def kernel(x, weight):
    idx = x.reshape(NW, NCHUNK, CHUNK).astype(jnp.int32)
    out = _gather(idx, weight)
    return out.reshape(BATCH, HIST, DIM)

# --- scband reference (transcript-rebuilt; emitter-appended) ---
"""Pipeline reference for scband-embedding-40939628265871 (READ-ONLY COPY).

The authoritative reference and input builder live on the scoring server;
editing this copy changes nothing except your own understanding.
"""

import jax, jax.numpy as jnp
import numpy as np

NUM_EMBEDDINGS = 1000000
EMBEDDING_DIM = 64
BATCH = 16384
HIST_LEN = 20


def setup_inputs(seed: int = 0) -> dict:
    key = jax.random.key(seed)
    k_idx, k_w = jax.random.split(key)
    x = jax.random.randint(k_idx, (BATCH, HIST_LEN), 0, NUM_EMBEDDINGS, dtype=jnp.int64 if jax.config.jax_enable_x64 else jnp.int32)
    weight = jax.random.normal(k_w, (NUM_EMBEDDINGS, EMBEDDING_DIM), dtype=jnp.float32) * 0.02
    return {"x": x, "weight": weight}


def reference(x, weight):
    # quant=False branch: plain embedding lookup, F.embedding(x, weight)
    output = jnp.take(weight, x, axis=0)
    return output

if __name__ == "__main__":
    import jax
    _d = setup_inputs()
    print(jax.jit(kernel)(*tuple(_d.values())))

</pallas_src>

<mosaic_0001>
#map = affine_map<(d0, d1) -> (0, 0, 0)>
#map1 = affine_map<(d0, d1) -> (0, 0)>
module attributes {stable_mosaic.version = 14 : i64} {
  func.func @gather_kernel(%arg0: i32, %arg1: i32, %arg2: memref<32x80x128xi32, #tpu.memory_space<hbm>>, %arg3: memref<1000000x64xf32, #tpu.memory_space<hbm>>, %arg4: memref<327680x64xf32, #tpu.memory_space<hbm>>, %arg5: memref<80x128xi32, #tpu.memory_space<vmem>>, %arg6: memref<8x128x64xf32, #tpu.memory_space<vmem>>, %arg7: memref<8x!tpu.dma_semaphore, #tpu.memory_space<semaphore_mem>>, %arg8: memref<8x!tpu.dma_semaphore, #tpu.memory_space<semaphore_mem>>) attributes {dimension_semantics = [#tpu.dimension_semantics<core_parallel>, #tpu.dimension_semantics<subcore_parallel>], iteration_bounds = array<i64: 2, 16>, scalar_prefetch = 0 : i64, scratch_operands = 4 : i64, tpu.core_type = #tpu.core_type<sc_vector_subcore>, window_params = [{transform_indices = #map}, {transform_indices = #map1}, {transform_indices = #map1}]} {
    %mul3A = arith.constant 2 : i32
    %mul3A_0 = arith.muli %arg1, %mul3A : i32
    %add3A = arith.addi %mul3A_0, %arg0 : i32
    %mul3A_1 = arith.constant 10240 : i32
    %mul3A_2 = arith.muli %add3A, %mul3A_1 : i32
    "tpu.region"() ({
      %run_scoped3A = tpu.sem_alloc : memref<!tpu.dma_semaphore, #tpu.memory_space<semaphore_mem>>
      %dma_start3A = arith.constant 0 : i32
      %dma_start3A_135 = arith.constant 0 : i32
      %dma_start3A_136 = tpu.memref_slice %arg2[%add3A, %dma_start3A, %dma_start3A_135] : memref<32x80x128xi32, #tpu.memory_space<hbm>> -> memref<1x80x128xi32, #tpu.memory_space<hbm>>
      %dma_start3A_137 = tpu.memref_squeeze %dma_start3A_136 : memref<1x80x128xi32, #tpu.memory_space<hbm>> -> memref<80x128xi32, #tpu.memory_space<hbm>>
      %dma_start3A_138 = arith.constant 0 : i32
      %dma_start3A_139 = arith.constant 0 : i32
      %dma_start3A_140 = tpu.memref_slice %arg2[%add3A, %dma_start3A_138, %dma_start3A_139] : memref<32x80x128xi32, #tpu.memory_space<hbm>> -> memref<1x80x128xi32, #tpu.memory_space<hbm>>
      %dma_start3A_141 = tpu.memref_squeeze %dma_start3A_140 : memref<1x80x128xi32, #tpu.memory_space<hbm>> -> memref<80x128xi32, #tpu.memory_space<hbm>>
      tpu.enqueue_dma source(%dma_start3A_141 : memref<80x128xi32, #tpu.memory_space<hbm>>) target(%arg5 : memref<80x128xi32, #tpu.memory_space<vmem>>) target_semaphore(%run_scoped3A : memref<!tpu.dma_semaphore, #tpu.memory_space<semaphore_mem>>)
      %dma_wait3A_142 = arith.constant 0 : i32
      %dma_wait3A_143 = arith.constant 0 : i32
      %dma_wait3A_144 = tpu.memref_slice %arg2[%add3A, %dma_wait3A_142, %dma_wait3A_143] : memref<32x80x128xi32, #tpu.memory_space<hbm>> -> memref<1x80x128xi32, #tpu.memory_space<hbm>>
      %dma_wait3A_145 = tpu.memref_squeeze %dma_wait3A_144 : memref<1x80x128xi32, #tpu.memory_space<hbm>> -> memref<80x128xi32, #tpu.memory_space<hbm>>
      %dma_wait3A_146 = arith.constant 0 : i32
      %dma_wait3A_147 = arith.constant 0 : i32
      %dma_wait3A_148 = tpu.memref_slice %arg2[%add3A, %dma_wait3A_146, %dma_wait3A_147] : memref<32x80x128xi32, #tpu.memory_space<hbm>> -> memref<1x80x128xi32, #tpu.memory_space<hbm>>
      %dma_wait3A_149 = tpu.memref_squeeze %dma_wait3A_148 : memref<1x80x128xi32, #tpu.memory_space<hbm>> -> memref<80x128xi32, #tpu.memory_space<hbm>>
      tpu.wait_dma2 semaphore(%run_scoped3A : memref<!tpu.dma_semaphore, #tpu.memory_space<semaphore_mem>>) src(%dma_wait3A_149 : memref<80x128xi32, #tpu.memory_space<hbm>>) dst(%arg5 : memref<80x128xi32, #tpu.memory_space<vmem>>)
      tpu.yield
    }) : () -> ()
    %scan3A = arith.constant 0 : i32
    %scan3A_3 = arith.constant 0 : i32
    %scan3A_4 = arith.constant 10 : i32
    %scan3A_5 = arith.addi %scan3A_3, %scan3A_4 : i32
    %scan3A_6 = arith.constant 1 : i32
    scf.for %scan3A_135 = %scan3A_3 to %scan3A_5 step %scan3A_6  : i32 {
      %mul3A_136 = arith.constant 8 : i32
      %mul3A_137 = arith.muli %scan3A_135, %mul3A_136 : i32
      %gt3A = arith.constant 0 : i32
      %gt3A_138 = arith.cmpi sgt, %scan3A_135, %gt3A : i32
      %convert_element_type3A = arith.extui %gt3A_138 : i1 to i32
      %cond3A = arith.constant 0 : i32
      %cond3A_139 = arith.cmpi ne, %convert_element_type3A, %cond3A : i32
      scf.if %cond3A_139 {
        %dma_wait3A_582 = arith.constant 0 : i32
        %dma_wait3A_583 = arith.constant 0 : i32
        %dma_wait3A_584 = arith.constant 0 : i32
        %dma_wait3A_585 = arith.constant 0 : i32
        %dma_wait3A_586 = tpu.memref_slice %arg6[%dma_wait3A_582, %dma_wait3A_584, %dma_wait3A_585] : memref<8x128x64xf32, #tpu.memory_space<vmem>> -> memref<1x128x64xf32, #tpu.memory_space<vmem>>
        %dma_wait3A_587 = tpu.memref_squeeze %dma_wait3A_586 : memref<1x128x64xf32, #tpu.memory_space<vmem>> -> memref<128x64xf32, #tpu.memory_space<vmem>>
        %dma_wait3A_588 = arith.constant 0 : i32
        %dma_wait3A_589 = tpu.memref_slice %arg4[%mul3A_2, %dma_wait3A_588] : memref<327680x64xf32, #tpu.memory_space<hbm>> -> memref<128x64xf32, #tpu.memory_space<hbm>>
        %dma_wait3A_590 = tpu.memref_slice %arg8[%dma_wait3A_583] : memref<8x!tpu.dma_semaphore, #tpu.memory_space<semaphore_mem>> -> memref<1x!tpu.dma_semaphore, #tpu.memory_space<semaphore_mem>>
        %dma_wait3A_591 = tpu.memref_squeeze %dma_wait3A_590 : memref<1x!tpu.dma_semaphore, #tpu.memory_space<semaphore_mem>> -> memref<!tpu.dma_semaphore, #tpu.memory_space<semaphore_mem>>
        %dma_wait3A_592 = arith.constant 0 : i32
        %dma_wait3A_593 = tpu.memref_slice %arg4[%mul3A_2, %dma_wait3A_592] : memref<327680x64xf32, #tpu.memory_space<hbm>> -> memref<128x64xf32, #tpu.memory_space<hbm>>
        %dma_wait3A_594 = arith.constant 0 : i32
        %dma_wait3A_595 = arith.constant 0 : i32
        %dma_wait3A_596 = tpu.memref_slice %arg6[%dma_wait3A_582, %dma_wait3A_594, %dma_wait3A_595] : memref<8x128x64xf32, #tpu.memory_space<vmem>> -> memref<1x128x64xf32, #tpu.memory_space<vmem>>
        %dma_wait3A_597 = tpu.memref_squeeze %dma_wait3A_596 : memref<1x128x64xf32, #tpu.memory_space<vmem>> -> memref<128x64xf32, #tpu.memory_space<vmem>>
        tpu.wait_dma2 semaphore(%dma_wait3A_591 : memref<!tpu.dma_semaphore, #tpu.memory_space<semaphore_mem>>) src(%dma_wait3A_597 : memref<128x64xf32, #tpu.memory_space<vmem>>) dst(%dma_wait3A_593 : memref<128x64xf32, #tpu.memory_space<hbm>>)
      } else {
      }
      %add3A_140 = arith.constant 0 : i32
      %add3A_141 = arith.addi %mul3A_137, %add3A_140 : i32
      %dma_start3A = arith.constant 0 : i32
      %dma_start3A_142 = arith.constant 0 : i32
      %dma_start3A_143 = arith.constant 0 : i32
      %dma_start3A_144 = arith.constant 0 : i32
      %dma_start3A_145 = tpu.memref_slice %arg6[%dma_start3A, %dma_start3A_143, %dma_start3A_144] : memref<8x128x64xf32, #tpu.memory_space<vmem>> -> memref<1x128x64xf32, #tpu.memory_space<vmem>>
      %dma_start3A_146 = tpu.memref_squeeze %dma_start3A_145 : memref<1x128x64xf32, #tpu.memory_space<vmem>> -> memref<128x64xf32, #tpu.memory_space<vmem>>
      %dma_start3A_147 = arith.constant 0 : i32
      %dma_start3A_148 = tpu.memref_slice %arg5[%add3A_141, %dma_start3A_147] : memref<80x128xi32, #tpu.memory_space<vmem>> -> memref<1x128xi32, #tpu.memory_space<vmem>>
      %dma_start3A_149 = tpu.memref_squeeze %dma_start3A_148 : memref<1x128xi32, #tpu.memory_space<vmem>> -> memref<128xi32, #tpu.memory_space<vmem>>
      %dma_start3A_150 = arith.constant 0 : i32
      %dma_start3A_151 = arith.constant 0 : i32
      %dma_start3A_152 = tpu.memref_slice %arg3[%dma_start3A_150, %dma_start3A_151] : memref<1000000x64xf32, #tpu.memory_space<hbm>> -> memref<1000000x64xf32, #tpu.memory_space<hbm>>
      %dma_start3A_153 = tpu.memref_slice %arg7[%dma_start3A_142] : memref<8x!tpu.dma_semaphore, #tpu.memory_space<semaphore_mem>> -> memref<1x!tpu.dma_semaphore, #tpu.memory_space<semaphore_mem>>
      %dma_start3A_154 = tpu.memref_squeeze %dma_start3A_153 : memref<1x!tpu.dma_semaphore, #tpu.memory_space<semaphore_mem>> -> memref<!tpu.dma_semaphore, #tpu.memory_space<semaphore_mem>>
      tpu.enqueue_indirect_dma source(%dma_start3A_152 : memref<1000000x64xf32, #tpu.memory_space<hbm>>) target(%dma_start3A_146 : memref<128x64xf32, #tpu.memory_space<vmem>>) offsets(%dma_start3A_149 : memref<128xi32, #tpu.memory_space<vmem>>) semaphore(%dma_start3A_154 : memref<!tpu.dma_semaphore, #tpu.memory_space<semaphore_mem>>)
      %gt3A_155 = arith.constant 0 : i32
      %gt3A_156 = arith.cmpi sgt, %scan3A_135, %gt3A_155 : i32
      %convert_element_type3A_157 = arith.extui %gt3A_156 : i1 to i32
      %cond3A_158 = arith.constant 0 : i32
      %cond3A_159 = arith.cmpi ne, %convert_element_type3A_157, %cond3A_158 : i32
      scf.if %cond3A_159 {
        %dma_wait3A_582 = arith.constant 1 : i32
        %dma_wait3A_583 = arith.constant 1 : i32
        %dma_wait3A_584 = arith.constant 0 : i32
        %dma_wait3A_585 = arith.constant 0 : i32
        %dma_wait3A_586 = tpu.memref_slice %arg6[%dma_wait3A_582, %dma_wait3A_584, %dma_wait3A_585] : memref<8x128x64xf32, #tpu.memory_space<vmem>> -> memref<1x128x64xf32, #tpu.memory_space<vmem>>
        %dma_wait3A_587 = tpu.memref_squeeze %dma_wait3A_586 : memref<1x128x64xf32, #tpu.memory_space<vmem>> -> memref<128x64xf32, #tpu.memory_space<vmem>>
        %dma_wait3A_588 = arith.constant 0 : i32
        %dma_wait3A_589 = tpu.memref_slice %arg4[%mul3A_2, %dma_wait3A_588] : memref<327680x64xf32, #tpu.memory_space<hbm>> -> memref<128x64xf32, #tpu.memory_space<hbm>>
        %dma_wait3A_590 = tpu.memref_slice %arg8[%dma_wait3A_583] : memref<8x!tpu.dma_semaphore, #tpu.memory_space<semaphore_mem>> -> memref<1x!tpu.dma_semaphore, #tpu.memory_space<semaphore_mem>>
        %dma_wait3A_591 = tpu.memref_squeeze %dma_wait3A_590 : memref<1x!tpu.dma_semaphore, #tpu.memory_space<semaphore_mem>> -> memref<!tpu.dma_semaphore, #tpu.memory_space<semaphore_mem>>
        %dma_wait3A_592 = arith.constant 0 : i32
        %dma_wait3A_593 = tpu.memref_slice %arg4[%mul3A_2, %dma_wait3A_592] : memref<327680x64xf32, #tpu.memory_space<hbm>> -> memref<128x64xf32, #tpu.memory_space<hbm>>
        %dma_wait3A_594 = arith.constant 0 : i32
        %dma_wait3A_595 = arith.constant 0 : i32
        %dma_wait3A_596 = tpu.memref_slice %arg6[%dma_wait3A_582, %dma_wait3A_594, %dma_wait3A_595] : memref<8x128x64xf32, #tpu.memory_space<vmem>> -> memref<1x128x64xf32, #tpu.memory_space<vmem>>
        %dma_wait3A_597 = tpu.memref_squeeze %dma_wait3A_596 : memref<1x128x64xf32, #tpu.memory_space<vmem>> -> memref<128x64xf32, #tpu.memory_space<vmem>>
        tpu.wait_dma2 semaphore(%dma_wait3A_591 : memref<!tpu.dma_semaphore, #tpu.memory_space<semaphore_mem>>) src(%dma_wait3A_597 : memref<128x64xf32, #tpu.memory_space<vmem>>) dst(%dma_wait3A_593 : memref<128x64xf32, #tpu.memory_space<hbm>>)
      } else {
      }
      %add3A_160 = arith.constant 1 : i32
      %add3A_161 = arith.addi %mul3A_137, %add3A_160 : i32
      %dma_start3A_162 = arith.constant 1 : i32
      %dma_start3A_163 = arith.constant 1 : i32
      %dma_start3A_164 = arith.constant 0 : i32
      %dma_start3A_165 = arith.constant 0 : i32
      %dma_start3A_166 = tpu.memref_slice %arg6[%dma_start3A_162, %dma_start3A_164, %dma_start3A_165] : memref<8x128x64xf32, #tpu.memory_space<vmem>> -> memref<1x128x64xf32, #tpu.memory_space<vmem>>
      %dma_start3A_167 = tpu.memref_squeeze %dma_start3A_166 : memref<1x128x64xf32, #tpu.memory_space<vmem>> -> memref<128x64xf32, #tpu.memory_space<vmem>>
      %dma_start3A_168 = arith.constant 0 : i32
      %dma_start3A_169 = tpu.memref_slice %arg5[%add3A_161, %dma_start3A_168] : memref<80x128xi32, #tpu.memory_space<vmem>> -> memref<1x128xi32, #tpu.memory_space<vmem>>
      %dma_start3A_170 = tpu.memref_squeeze %dma_start3A_169 : memref<1x128xi32, #tpu.memory_space<vmem>> -> memref<128xi32, #tpu.memory_space<vmem>>
      %dma_start3A_171 = arith.constant 0 : i32
      %dma_start3A_172 = arith.constant 0 : i32
      %dma_start3A_173 = tpu.memref_slice %arg3[%dma_start3A_171, %dma_start3A_172] : memref<1000000x64xf32, #tpu.memory_space<hbm>> -> memref<1000000x64xf32, #tpu.memory_space<hbm>>
      %dma_start3A_174 = tpu.memref_slice %arg7[%dma_start3A_163] : memref<8x!tpu.dma_semaphore, #tpu.memory_space<semaphore_mem>> -> memref<1x!tpu.dma_semaphore, #tpu.memory_space<semaphore_mem>>
      %dma_start3A_175 = tpu.memref_squeeze %dma_start3A_174 : memref<1x!tpu.dma_semaphore, #tpu.memory_space<semaphore_mem>> -> memref<!tpu.dma_semaphore, #tpu.memory_space<semaphore_mem>>
      tpu.enqueue_indirect_dma source(%dma_start3A_173 : memref<1000000x64xf32, #tpu.memory_space<hbm>>) target(%dma_start3A_167 : memref<128x64xf32, #tpu.memory_space<vmem>>) offsets(%dma_start3A_170 : memref<128xi32, #tpu.memory_space<vmem>>) semaphore(%dma_start3A_175 : memref<!tpu.dma_semaphore, #tpu.memory_space<semaphore_mem>>)
      %gt3A_176 = arith.constant 0 : i32
      %gt3A_177 = arith.cmpi sgt, %scan3A_135, %gt3A_176 : i32
      %convert_element_type3A_178 = arith.extui %gt3A_177 : i1 to i32
      %cond3A_179 = arith.constant 0 : i32
      %cond3A_180 = arith.cmpi ne, %convert_element_type3A_178, %cond3A_179 : i32
      scf.if %cond3A_180 {
        %dma_wait3A_582 = arith.constant 2 : i32
        %dma_wait3A_583 = arith.constant 2 : i32
        %dma_wait3A_584 = arith.constant 0 : i32
        %dma_wait3A_585 = arith.constant 0 : i32
        %dma_wait3A_586 = tpu.memref_slice %arg6[%dma_wait3A_582, %dma_wait3A_584, %dma_wait3A_585] : memref<8x128x64xf32, #tpu.memory_space<vmem>> -> memref<1x128x64xf32, #tpu.memory_space<vmem>>
        %dma_wait3A_587 = tpu.memref_squeeze %dma_wait3A_586 : memref<1x128x64xf32, #tpu.memory_space<vmem>> -> memref<128x64xf32, #tpu.memory_space<vmem>>
        %dma_wait3A_588 = arith.constant 0 : i32
        %dma_wait3A_589 = tpu.memref_slice %arg4[%mul3A_2, %dma_wait3A_588] : memref<327680x64xf32, #tpu.memory_space<hbm>> -> memref<128x64xf32, #tpu.memory_space<hbm>>
        %dma_wait3A_590 = tpu.memref_slice %arg8[%dma_wait3A_583] : memref<8x!tpu.dma_semaphore, #tpu.memory_space<semaphore_mem>> -> memref<1x!tpu.dma_semaphore, #tpu.memory_space<semaphore_mem>>
        %dma_wait3A_591 = tpu.memref_squeeze %dma_wait3A_590 : memref<1x!tpu.dma_semaphore, #tpu.memory_space<semaphore_mem>> -> memref<!tpu.dma_semaphore, #tpu.memory_space<semaphore_mem>>
        %dma_wait3A_592 = arith.constant 0 : i32
        %dma_wait3A_593 = tpu.memref_slice %arg4[%mul3A_2, %dma_wait3A_592] : memref<327680x64xf32, #tpu.memory_space<hbm>> -> memref<128x64xf32, #tpu.memory_space<hbm>>
        %dma_wait3A_594 = arith.constant 0 : i32
        %dma_wait3A_595 = arith.constant 0 : i32
        %dma_wait3A_596 = tpu.memref_slice %arg6[%dma_wait3A_582, %dma_wait3A_594, %dma_wait3A_595] : memref<8x128x64xf32, #tpu.memory_space<vmem>> -> memref<1x128x64xf32, #tpu.memory_space<vmem>>
        %dma_wait3A_597 = tpu.memref_squeeze %dma_wait3A_596 : memref<1x128x64xf32, #tpu.memory_space<vmem>> -> memref<128x64xf32, #tpu.memory_space<vmem>>
        tpu.wait_dma2 semaphore(%dma_wait3A_591 : memref<!tpu.dma_semaphore, #tpu.memory_space<semaphore_mem>>) src(%dma_wait3A_597 : memref<128x64xf32, #tpu.memory_space<vmem>>) dst(%dma_wait3A_593 : memref<128x64xf32, #tpu.memory_space<hbm>>)
      } else {
      }
      %add3A_181 = arith.constant 2 : i32
      %add3A_182 = arith.addi %mul3A_137, %add3A_181 : i32
      %dma_start3A_183 = arith.constant 2 : i32
      %dma_start3A_184 = arith.constant 2 : i32
      %dma_start3A_185 = arith.constant 0 : i32
      %dma_start3A_186 = arith.constant 0 : i32
      %dma_start3A_187 = tpu.memref_slice %arg6[%dma_start3A_183, %dma_start3A_185, %dma_start3A_186] : memref<8x128x64xf32, #tpu.memory_space<vmem>> -> memref<1x128x64xf32, #tpu.memory_space<vmem>>
      %dma_start3A_188 = tpu.memref_squeeze %dma_start3A_187 : memref<1x128x64xf32, #tpu.memory_space<vmem>> -> memref<128x64xf32, #tpu.memory_space<vmem>>
      %dma_start3A_189 = arith.constant 0 : i32
      %dma_start3A_190 = tpu.memref_slice %arg5[%add3A_182, %dma_start3A_189] : memref<80x128xi32, #tpu.memory_space<vmem>> -> memref<1x128xi32, #tpu.memory_space<vmem>>
      %dma_start3A_191 = tpu.memref_squeeze %dma_start3A_190 : memref<1x128xi32, #tpu.memory_space<vmem>> -> memref<128xi32, #tpu.memory_space<vmem>>
      %dma_start3A_192 = arith.constant 0 : i32
      %dma_start3A_193 = arith.constant 0 : i32
      %dma_start3A_194 = tpu.memref_slice %arg3[%dma_start3A_192, %dma_start3A_193] : memref<1000000x64xf32, #tpu.memory_space<hbm>> -> memref<1000000x64xf32, #tpu.memory_space<hbm>>
      %dma_start3A_195 = tpu.memref_slice %arg7[%dma_start3A_184] : memref<8x!tpu.dma_semaphore, #tpu.memory_space<semaphore_mem>> -> memref<1x!tpu.dma_semaphore, #tpu.memory_space<semaphore_mem>>
      %dma_start3A_196 = tpu.memref_squeeze %dma_start3A_195 : memref<1x!tpu.dma_semaphore, #tpu.memory_space<semaphore_mem>> -> memref<!tpu.dma_semaphore, #tpu.memory_space<semaphore_mem>>
      tpu.enqueue_indirect_dma source(%dma_start3A_194 : memref<1000000x64xf32, #tpu.memory_space<hbm>>) target(%dma_start3A_188 : memref<128x64xf32, #tpu.memory_space<vmem>>) offsets(%dma_start3A_191 : memref<128xi32, #tpu.memory_space<vmem>>) semaphore(%dma_start3A_196 : memref<!tpu.dma_semaphore, #tpu.memory_space<semaphore_mem>>)
      %gt3A_197 = arith.constant 0 : i32
      %gt3A_198 = arith.cmpi sgt, %scan3A_135, %gt3A_197 : i32
      %convert_element_type3A_199 = arith.extui %gt3A_198 : i1 to i32
      %cond3A_200 = arith.constant 0 : i32
      %cond3A_201 = arith.cmpi ne, %convert_element_type3A_199, %cond3A_200 : i32
      scf.if %cond3A_201 {
        %dma_wait3A_582 = arith.constant 3 : i32
        %dma_wait3A_583 = arith.constant 3 : i32
        %dma_wait3A_584 = arith.constant 0 : i32
        %dma_wait3A_585 = arith.constant 0 : i32
        %dma_wait3A_586 = tpu.memref_slice %arg6[%dma_wait3A_582, %dma_wait3A_584, %dma_wait3A_585] : memref<8x128x64xf32, #tpu.memory_space<vmem>> -> memref<1x128x64xf32, #tpu.memory_space<vmem>>
        %dma_wait3A_587 = tpu.memref_squeeze %dma_wait3A_586 : memref<1x128x64xf32, #tpu.memory_space<vmem>> -> memref<128x64xf32, #tpu.memory_space<vmem>>
        %dma_wait3A_588 = arith.constant 0 : i32
        %dma_wait3A_589 = tpu.memref_slice %arg4[%mul3A_2, %dma_wait3A_588] : memref<327680x64xf32, #tpu.memory_space<hbm>> -> memref<128x64xf32, #tpu.memory_space<hbm>>
        %dma_wait3A_590 = tpu.memref_slice %arg8[%dma_wait3A_583] : memref<8x!tpu.dma_semaphore, #tpu.memory_space<semaphore_mem>> -> memref<1x!tpu.dma_semaphore, #tpu.memory_space<semaphore_mem>>
        %dma_wait3A_591 = tpu.memref_squeeze %dma_wait3A_590 : memref<1x!tpu.dma_semaphore, #tpu.memory_space<semaphore_mem>> -> memref<!tpu.dma_semaphore, #tpu.memory_space<semaphore_mem>>
        %dma_wait3A_592 = arith.constant 0 : i32
        %dma_wait3A_593 = tpu.memref_slice %arg4[%mul3A_2, %dma_wait3A_592] : memref<327680x64xf32, #tpu.memory_space<hbm>> -> memref<128x64xf32, #tpu.memory_space<hbm>>
        %dma_wait3A_594 = arith.constant 0 : i32
        %dma_wait3A_595 = arith.constant 0 : i32
        %dma_wait3A_596 = tpu.memref_slice %arg6[%dma_wait3A_582, %dma_wait3A_594, %dma_wait3A_595] : memref<8x128x64xf32, #tpu.memory_space<vmem>> -> memref<1x128x64xf32, #tpu.memory_space<vmem>>
        %dma_wait3A_597 = tpu.memref_squeeze %dma_wait3A_596 : memref<1x128x64xf32, #tpu.memory_space<vmem>> -> memref<128x64xf32, #tpu.memory_space<vmem>>
        tpu.wait_dma2 semaphore(%dma_wait3A_591 : memref<!tpu.dma_semaphore, #tpu.memory_space<semaphore_mem>>) src(%dma_wait3A_597 : memref<128x64xf32, #tpu.memory_space<vmem>>) dst(%dma_wait3A_593 : memref<128x64xf32, #tpu.memory_space<hbm>>)
      } else {
      }
      %add3A_202 = arith.constant 3 : i32
      %add3A_203 = arith.addi %mul3A_137, %add3A_202 : i32
      %dma_start3A_204 = arith.constant 3 : i32
      %dma_start3A_205 = arith.constant 3 : i32
      %dma_start3A_206 = arith.constant 0 : i32
      %dma_start3A_207 = arith.constant 0 : i32
      %dma_start3A_208 = tpu.memref_slice %arg6[%dma_start3A_204, %dma_start3A_206, %dma_start3A_207] : memref<8x128x64xf32, #tpu.memory_space<vmem>> -> memref<1x128x64xf32, #tpu.memory_space<vmem>>
      %dma_start3A_209 = tpu.memref_squeeze %dma_start3A_208 : memref<1x128x64xf32, #tpu.memory_space<vmem>> -> memref<128x64xf32, #tpu.memory_space<vmem>>
      %dma_start3A_210 = arith.constant 0 : i32
      %dma_start3A_211 = tpu.memref_slice %arg5[%add3A_203, %dma_start3A_210] : memref<80x128xi32, #tpu.memory_space<vmem>> -> memref<1x128xi32, #tpu.memory_space<vmem>>
      %dma_start3A_212 = tpu.memref_squeeze %dma_start3A_211 : memref<1x128xi32, #tpu.memory_space<vmem>> -> memref<128xi32, #tpu.memory_space<vmem>>
      %dma_start3A_213 = arith.constant 0 : i32
      %dma_start3A_214 = arith.constant 0 : i32
      %dma_start3A_215 = tpu.memref_slice %arg3[%dma_start3A_213, %dma_start3A_214] : memref<1000000x64xf32, #tpu.memory_space<hbm>> -> memref<1000000x64xf32, #tpu.memory_space<hbm>>
      %dma_start3A_216 = tpu.memref_slice %arg7[%dma_start3A_205] : memref<8x!tpu.dma_semaphore, #tpu.memory_space<semaphore_mem>> -> memref<1x!tpu.dma_semaphore, #tpu.memory_space<semaphore_mem>>
      %dma_start3A_217 = tpu.memref_squeeze %dma_start3A_216 : memref<1x!tpu.dma_semaphore, #tpu.memory_space<semaphore_mem>> -> memref<!tpu.dma_semaphore, #tpu.memory_space<semaphore_mem>>
      tpu.enqueue_indirect_dma source(%dma_start3A_215 : memref<1000000x64xf32, #tpu.memory_space<hbm>>) target(%dma_start3A_209 : memref<128x64xf32, #tpu.memory_space<vmem>>) offsets(%dma_start3A_212 : memref<128xi32, #tpu.memory_space<vmem>>) semaphore(%dma_start3A_217 : memref<!tpu.dma_semaphore, #tpu.memory_space<semaphore_mem>>)
      %gt3A_218 = arith.constant 0 : i32
      %gt3A_219 = arith.cmpi sgt, %scan3A_135, %gt3A_218 : i32
      %convert_element_type3A_220 = arith.extui %gt3A_219 : i1 to i32
      %cond3A_221 = arith.constant 0 : i32
      %cond3A_222 = arith.cmpi ne, %convert_element_type3A_220, %cond3A_221 : i32
      scf.if %cond3A_222 {
        %dma_wait3A_582 = arith.constant 4 : i32
        %dma_wait3A_583 = arith.constant 4 : i32
        %dma_wait3A_584 = arith.constant 0 : i32
        %dma_wait3A_585 = arith.constant 0 : i32
        %dma_wait3A_586 = tpu.memref_slice %arg6[%dma_wait3A_582, %dma_wait3A_584, %dma_wait3A_585] : memref<8x128x64xf32, #tpu.memory_space<vmem>> -> memref<1x128x64xf32, #tpu.memory_space<vmem>>
        %dma_wait3A_587 = tpu.memref_squeeze %dma_wait3A_586 : memref<1x128x64xf32, #tpu.memory_space<vmem>> -> memref<128x64xf32, #tpu.memory_space<vmem>>
        %dma_wait3A_588 = arith.constant 0 : i32
        %dma_wait3A_589 = tpu.memref_slice %arg4[%mul3A_2, %dma_wait3A_588] : memref<327680x64xf32, #tpu.memory_space<hbm>> -> memref<128x64xf32, #tpu.memory_space<hbm>>
        %dma_wait3A_590 = tpu.memref_slice %arg8[%dma_wait3A_583] : memref<8x!tpu.dma_semaphore, #tpu.memory_space<semaphore_mem>> -> memref<1x!tpu.dma_semaphore, #tpu.memory_space<semaphore_mem>>
        %dma_wait3A_591 = tpu.memref_squeeze %dma_wait3A_590 : memref<1x!tpu.dma_semaphore, #tpu.memory_space<semaphore_mem>> -> memref<!tpu.dma_semaphore, #tpu.memory_space<semaphore_mem>>
        %dma_wait3A_592 = arith.constant 0 : i32
        %dma_wait3A_593 = tpu.memref_slice %arg4[%mul3A_2, %dma_wait3A_592] : memref<327680x64xf32, #tpu.memory_space<hbm>> -> memref<128x64xf32, #tpu.memory_space<hbm>>
        %dma_wait3A_594 = arith.constant 0 : i32
        %dma_wait3A_595 = arith.constant 0 : i32
        %dma_wait3A_596 = tpu.memref_slice %arg6[%dma_wait3A_582, %dma_wait3A_594, %dma_wait3A_595] : memref<8x128x64xf32, #tpu.memory_space<vmem>> -> memref<1x128x64xf32, #tpu.memory_space<vmem>>
        %dma_wait3A_597 = tpu.memref_squeeze %dma_wait3A_596 : memref<1x128x64xf32, #tpu.memory_space<vmem>> -> memref<128x64xf32, #tpu.memory_space<vmem>>
        tpu.wait_dma2 semaphore(%dma_wait3A_591 : memref<!tpu.dma_semaphore, #tpu.memory_space<semaphore_mem>>) src(%dma_wait3A_597 : memref<128x64xf32, #tpu.memory_space<vmem>>) dst(%dma_wait3A_593 : memref<128x64xf32, #tpu.memory_space<hbm>>)
      } else {
      }
      %add3A_223 = arith.constant 4 : i32
      %add3A_224 = arith.addi %mul3A_137, %add3A_223 : i32
      %dma_start3A_225 = arith.constant 4 : i32
      %dma_start3A_226 = arith.constant 4 : i32
      %dma_start3A_227 = arith.constant 0 : i32
      %dma_start3A_228 = arith.constant 0 : i32
      %dma_start3A_229 = tpu.memref_slice %arg6[%dma_start3A_225, %dma_start3A_227, %dma_start3A_228] : memref<8x128x64xf32, #tpu.memory_space<vmem>> -> memref<1x128x64xf32, #tpu.memory_space<vmem>>
      %dma_start3A_230 = tpu.memref_squeeze %dma_start3A_229 : memref<1x128x64xf32, #tpu.memory_space<vmem>> -> memref<128x64xf32, #tpu.memory_space<vmem>>
      %dma_start3A_231 = arith.constant 0 : i32
      %dma_start3A_232 = tpu.memref_slice %arg5[%add3A_224, %dma_start3A_231] : memref<80x128xi32, #tpu.memory_space<vmem>> -> memref<1x128xi32, #tpu.memory_space<vmem>>
      %dma_start3A_233 = tpu.memref_squeeze %dma_start3A_232 : memref<1x128xi32, #tpu.memory_space<vmem>> -> memref<128xi32, #tpu.memory_space<vmem>>
      %dma_start3A_234 = arith.constant 0 : i32
      %dma_start3A_235 = arith.constant 0 : i32
      %dma_start3A_236 = tpu.memref_slice %arg3[%dma_start3A_234, %dma_start3A_235] : memref<1000000x64xf32, #tpu.memory_space<hbm>> -> memref<1000000x64xf32, #tpu.memory_space<hbm>>
      %dma_start3A_237 = tpu.memref_slice %arg7[%dma_start3A_226] : memref<8x!tpu.dma_semaphore, #tpu.memory_space<semaphore_mem>> -> memref<1x!tpu.dma_semaphore, #tpu.memory_space<semaphore_mem>>
      %dma_start3A_238 = tpu.memref_squeeze %dma_start3A_237 : memref<1x!tpu.dma_semaphore, #tpu.memory_space<semaphore_mem>> -> memref<!tpu.dma_semaphore, #tpu.memory_space<semaphore_mem>>
      tpu.enqueue_indirect_dma source(%dma_start3A_236 : memref<1000000x64xf32, #tpu.memory_space<hbm>>) target(%dma_start3A_230 : memref<128x64xf32, #tpu.memory_space<vmem>>) offsets(%dma_start3A_233 : memref<128xi32, #tpu.memory_space<vmem>>) semaphore(%dma_start3A_238 : memref<!tpu.dma_semaphore, #tpu.memory_space<semaphore_mem>>)
      %gt3A_239 = arith.constant 0 : i32
      %gt3A_240 = arith.cmpi sgt, %scan3A_135, %gt3A_239 : i32
      %convert_element_type3A_241 = arith.extui %gt3A_240 : i1 to i32
      %cond3A_242 = arith.constant 0 : i32
      %cond3A_243 = arith.cmpi ne, %convert_element_type3A_241, %cond3A_242 : i32
      scf.if %cond3A_243 {
        %dma_wait3A_582 = arith.constant 5 : i32
        %dma_wait3A_583 = arith.constant 5 : i32
        %dma_wait3A_584 = arith.constant 0 : i32
        %dma_wait3A_585 = arith.constant 0 : i32
        %dma_wait3A_586 = tpu.memref_slice %arg6[%dma_wait3A_582, %dma_wait3A_584, %dma_wait3A_585] : memref<8x128x64xf32, #tpu.memory_space<vmem>> -> memref<1x128x64xf32, #tpu.memory_space<vmem>>
        %dma_wait3A_587 = tpu.memref_squeeze %dma_wait3A_586 : memref<1x128x64xf32, #tpu.memory_space<vmem>> -> memref<128x64xf32, #tpu.memory_space<vmem>>
        %dma_wait3A_588 = arith.constant 0 : i32
        %dma_wait3A_589 = tpu.memref_slice %arg4[%mul3A_2, %dma_wait3A_588] : memref<327680x64xf32, #tpu.memory_space<hbm>> -> memref<128x64xf32, #tpu.memory_space<hbm>>
        %dma_wait3A_590 = tpu.memref_slice %arg8[%dma_wait3A_583] : memref<8x!tpu.dma_semaphore, #tpu.memory_space<semaphore_mem>> -> memref<1x!tpu.dma_semaphore, #tpu.memory_space<semaphore_mem>>
        %dma_wait3A_591 = tpu.memref_squeeze %dma_wait3A_590 : memref<1x!tpu.dma_semaphore, #tpu.memory_space<semaphore_mem>> -> memref<!tpu.dma_semaphore, #tpu.memory_space<semaphore_mem>>
        %dma_wait3A_592 = arith.constant 0 : i32
        %dma_wait3A_593 = tpu.memref_slice %arg4[%mul3A_2, %dma_wait3A_592] : memref<327680x64xf32, #tpu.memory_space<hbm>> -> memref<128x64xf32, #tpu.memory_space<hbm>>
        %dma_wait3A_594 = arith.constant 0 : i32
        %dma_wait3A_595 = arith.constant 0 : i32
        %dma_wait3A_596 = tpu.memref_slice %arg6[%dma_wait3A_582, %dma_wait3A_594, %dma_wait3A_595] : memref<8x128x64xf32, #tpu.memory_space<vmem>> -> memref<1x128x64xf32, #tpu.memory_space<vmem>>
        %dma_wait3A_597 = tpu.memref_squeeze %dma_wait3A_596 : memref<1x128x64xf32, #tpu.memory_space<vmem>> -> memref<128x64xf32, #tpu.memory_space<vmem>>
        tpu.wait_dma2 semaphore(%dma_wait3A_591 : memref<!tpu.dma_semaphore, #tpu.memory_space<semaphore_mem>>) src(%dma_wait3A_597 : memref<128x64xf32, #tpu.memory_space<vmem>>) dst(%dma_wait3A_593 : memref<128x64xf32, #tpu.memory_space<hbm>>)
      } else {
      }
      %add3A_244 = arith.constant 5 : i32
      %add3A_245 = arith.addi %mul3A_137, %add3A_244 : i32
      %dma_start3A_246 = arith.constant 5 : i32
      %dma_start3A_247 = arith.constant 5 : i32
      %dma_start3A_248 = arith.constant 0 : i32
      %dma_start3A_249 = arith.constant 0 : i32
      %dma_start3A_250 = tpu.memref_slice %arg6[%dma_start3A_246, %dma_start3A_248, %dma_start3A_249] : memref<8x128x64xf32, #tpu.memory_space<vmem>> -> memref<1x128x64xf32, #tpu.memory_space<vmem>>
      %dma_start3A_251 = tpu.memref_squeeze %dma_start3A_250 : memref<1x128x64xf32, #tpu.memory_space<vmem>> -> memref<128x64xf32, #tpu.memory_space<vmem>>
      %dma_start3A_252 = arith.constant 0 : i32
      %dma_start3A_253 = tpu.memref_slice %arg5[%add3A_245, %dma_start3A_252] : memref<80x128xi32, #tpu.memory_space<vmem>> -> memref<1x128xi32, #tpu.memory_space<vmem>>
      %dma_start3A_254 = tpu.memref_squeeze %dma_start3A_253 : memref<1x128xi32, #tpu.memory_space<vmem>> -> memref<128xi32, #tpu.memory_space<vmem>>
      %dma_start3A_255 = arith.constant 0 : i32
      %dma_start3A_256 = arith.constant 0 : i32
      %dma_start3A_257 = tpu.memref_slice %arg3[%dma_start3A_255, %dma_start3A_256] : memref<1000000x64xf32, #tpu.memory_space<hbm>> -> memref<1000000x64xf32, #tpu.memory_space<hbm>>
      %dma_start3A_258 = tpu.memref_slice %arg7[%dma_start3A_247] : memref<8x!tpu.dma_semaphore, #tpu.memory_space<semaphore_mem>> -> memref<1x!tpu.dma_semaphore, #tpu.memory_space<semaphore_mem>>
      %dma_start3A_259 = tpu.memref_squeeze %dma_start3A_258 : memref<1x!tpu.dma_semaphore, #tpu.memory_space<semaphore_mem>> -> memref<!tpu.dma_semaphore, #tpu.memory_space<semaphore_mem>>
      tpu.enqueue_indirect_dma source(%dma_start3A_257 : memref<1000000x64xf32, #tpu.memory_space<hbm>>) target(%dma_start3A_251 : memref<128x64xf32, #tpu.memory_space<vmem>>) offsets(%dma_start3A_254 : memref<128xi32, #tpu.memory_space<vmem>>) semaphore(%dma_start3A_259 : memref<!tpu.dma_semaphore, #tpu.memory_space<semaphore_mem>>)
      %gt3A_260 = arith.constant 0 : i32
      %gt3A_261 = arith.cmpi sgt, %scan3A_135, %gt3A_260 : i32
      %convert_element_type3A_262 = arith.extui %gt3A_261 : i1 to i32
      %cond3A_263 = arith.constant 0 : i32
      %cond3A_264 = arith.cmpi ne, %convert_element_type3A_262, %cond3A_263 : i32
      scf.if %cond3A_264 {
        %dma_wait3A_582 = arith.constant 6 : i32
        %dma_wait3A_583 = arith.constant 6 : i32
        %dma_wait3A_584 = arith.constant 0 : i32
        %dma_wait3A_585 = arith.constant 0 : i32
        %dma_wait3A_586 = tpu.memref_slice %arg6[%dma_wait3A_582, %dma_wait3A_584, %dma_wait3A_585] : memref<8x128x64xf32, #tpu.memory_space<vmem>> -> memref<1x128x64xf32, #tpu.memory_space<vmem>>
        %dma_wait3A_587 = tpu.memref_squeeze %dma_wait3A_586 : memref<1x128x64xf32, #tpu.memory_space<vmem>> -> memref<128x64xf32, #tpu.memory_space<vmem>>
        %dma_wait3A_588 = arith.constant 0 : i32
        %dma_wait3A_589 = tpu.memref_slice %arg4[%mul3A_2, %dma_wait3A_588] : memref<327680x64xf32, #tpu.memory_space<hbm>> -> memref<128x64xf32, #tpu.memory_space<hbm>>
        %dma_wait3A_590 = tpu.memref_slice %arg8[%dma_wait3A_583] : memref<8x!tpu.dma_semaphore, #tpu.memory_space<semaphore_mem>> -> memref<1x!tpu.dma_semaphore, #tpu.memory_space<semaphore_mem>>
        %dma_wait3A_591 = tpu.memref_squeeze %dma_wait3A_590 : memref<1x!tpu.dma_semaphore, #tpu.memory_space<semaphore_mem>> -> memref<!tpu.dma_semaphore, #tpu.memory_space<semaphore_mem>>
        %dma_wait3A_592 = arith.constant 0 : i32
        %dma_wait3A_593 = tpu.memref_slice %arg4[%mul3A_2, %dma_wait3A_592] : memref<327680x64xf32, #tpu.memory_space<hbm>> -> memref<128x64xf32, #tpu.memory_space<hbm>>
        %dma_wait3A_594 = arith.constant 0 : i32
        %dma_wait3A_595 = arith.constant 0 : i32
        %dma_wait3A_596 = tpu.memref_slice %arg6[%dma_wait3A_582, %dma_wait3A_594, %dma_wait3A_595] : memref<8x128x64xf32, #tpu.memory_space<vmem>> -> memref<1x128x64xf32, #tpu.memory_space<vmem>>
        %dma_wait3A_597 = tpu.memref_squeeze %dma_wait3A_596 : memref<1x128x64xf32, #tpu.memory_space<vmem>> -> memref<128x64xf32, #tpu.memory_space<vmem>>
        tpu.wait_dma2 semaphore(%dma_wait3A_591 : memref<!tpu.dma_semaphore, #tpu.memory_space<semaphore_mem>>) src(%dma_wait3A_597 : memref<128x64xf32, #tpu.memory_space<vmem>>) dst(%dma_wait3A_593 : memref<128x64xf32, #tpu.memory_space<hbm>>)
      } else {
      }
      %add3A_265 = arith.constant 6 : i32
      %add3A_266 = arith.addi %mul3A_137, %add3A_265 : i32
      %dma_start3A_267 = arith.constant 6 : i32
      %dma_start3A_268 = arith.constant 6 : i32
      %dma_start3A_269 = arith.constant 0 : i32
      %dma_start3A_270 = arith.constant 0 : i32
      %dma_start3A_271 = tpu.memref_slice %arg6[%dma_start3A_267, %dma_start3A_269, %dma_start3A_270] : memref<8x128x64xf32, #tpu.memory_space<vmem>> -> memref<1x128x64xf32, #tpu.memory_space<vmem>>
      %dma_start3A_272 = tpu.memref_squeeze %dma_start3A_271 : memref<1x128x64xf32, #tpu.memory_space<vmem>> -> memref<128x64xf32, #tpu.memory_space<vmem>>
      %dma_start3A_273 = arith.constant 0 : i32
      %dma_start3A_274 = tpu.memref_slice %arg5[%add3A_266, %dma_start3A_273] : memref<80x128xi32, #tpu.memory_space<vmem>> -> memref<1x128xi32, #tpu.memory_space<vmem>>
      %dma_start3A_275 = tpu.memref_squeeze %dma_start3A_274 : memref<1x128xi32, #tpu.memory_space<vmem>> -> memref<128xi32, #tpu.memory_space<vmem>>
      %dma_start3A_276 = arith.constant 0 : i32
      %dma_start3A_277 = arith.constant 0 : i32
      %dma_start3A_278 = tpu.memref_slice %arg3[%dma_start3A_276, %dma_start3A_277] : memref<1000000x64xf32, #tpu.memory_space<hbm>> -> memref<1000000x64xf32, #tpu.memory_space<hbm>>
      %dma_start3A_279 = tpu.memref_slice %arg7[%dma_start3A_268] : memref<8x!tpu.dma_semaphore, #tpu.memory_space<semaphore_mem>> -> memref<1x!tpu.dma_semaphore, #tpu.memory_space<semaphore_mem>>
      %dma_start3A_280 = tpu.memref_squeeze %dma_start3A_279 : memref<1x!tpu.dma_semaphore, #tpu.memory_space<semaphore_mem>> -> memref<!tpu.dma_semaphore, #tpu.memory_space<semaphore_mem>>
      tpu.enqueue_indirect_dma source(%dma_start3A_278 : memref<1000000x64xf32, #tpu.memory_space<hbm>>) target(%dma_start3A_272 : memref<128x64xf32, #tpu.memory_space<vmem>>) offsets(%dma_start3A_275 : memref<128xi32, #tpu.memory_space<vmem>>) semaphore(%dma_start3A_280 : memref<!tpu.dma_semaphore, #tpu.memory_space<semaphore_mem>>)
      %gt3A_281 = arith.constant 0 : i32
      %gt3A_282 = arith.cmpi sgt, %scan3A_135, %gt3A_281 : i32
      %convert_element_type3A_283 = arith.extui %gt3A_282 : i1 to i32
      %cond3A_284 = arith.constant 0 : i32
      %cond3A_285 = arith.cmpi ne, %convert_element_type3A_283, %cond3A_284 : i32
      scf.if %cond3A_285 {
        %dma_wait3A_582 = arith.constant 7 : i32
        %dma_wait3A_583 = arith.constant 7 : i32
        %dma_wait3A_584 = arith.constant 0 : i32
        %dma_wait3A_585 = arith.constant 0 : i32
        %dma_wait3A_586 = tpu.memref_slice %arg6[%dma_wait3A_582, %dma_wait3A_584, %dma_wait3A_585] : memref<8x128x64xf32, #tpu.memory_space<vmem>> -> memref<1x128x64xf32, #tpu.memory_space<vmem>>
        %dma_wait3A_587 = tpu.memref_squeeze %dma_wait3A_586 : memref<1x128x64xf32, #tpu.memory_space<vmem>> -> memref<128x64xf32, #tpu.memory_space<vmem>>
        %dma_wait3A_588 = arith.constant 0 : i32
        %dma_wait3A_589 = tpu.memref_slice %arg4[%mul3A_2, %dma_wait3A_588] : memref<327680x64xf32, #tpu.memory_space<hbm>> -> memref<128x64xf32, #tpu.memory_space<hbm>>
        %dma_wait3A_590 = tpu.memref_slice %arg8[%dma_wait3A_583] : memref<8x!tpu.dma_semaphore, #tpu.memory_space<semaphore_mem>> -> memref<1x!tpu.dma_semaphore, #tpu.memory_space<semaphore_mem>>
        %dma_wait3A_591 = tpu.memref_squeeze %dma_wait3A_590 : memref<1x!tpu.dma_semaphore, #tpu.memory_space<semaphore_mem>> -> memref<!tpu.dma_semaphore, #tpu.memory_space<semaphore_mem>>
        %dma_wait3A_592 = arith.constant 0 : i32
        %dma_wait3A_593 = tpu.memref_slice %arg4[%mul3A_2, %dma_wait3A_592] : memref<327680x64xf32, #tpu.memory_space<hbm>> -> memref<128x64xf32, #tpu.memory_space<hbm>>
        %dma_wait3A_594 = arith.constant 0 : i32
        %dma_wait3A_595 = arith.constant 0 : i32
        %dma_wait3A_596 = tpu.memref_slice %arg6[%dma_wait3A_582, %dma_wait3A_594, %dma_wait3A_595] : memref<8x128x64xf32, #tpu.memory_space<vmem>> -> memref<1x128x64xf32, #tpu.memory_space<vmem>>
        %dma_wait3A_597 = tpu.memref_squeeze %dma_wait3A_596 : memref<1x128x64xf32, #tpu.memory_space<vmem>> -> memref<128x64xf32, #tpu.memory_space<vmem>>
        tpu.wait_dma2 semaphore(%dma_wait3A_591 : memref<!tpu.dma_semaphore, #tpu.memory_space<semaphore_mem>>) src(%dma_wait3A_597 : memref<128x64xf32, #tpu.memory_space<vmem>>) dst(%dma_wait3A_593 : memref<128x64xf32, #tpu.memory_space<hbm>>)
      } else {
      }
      %add3A_286 = arith.constant 7 : i32
      %add3A_287 = arith.addi %mul3A_137, %add3A_286 : i32
      %dma_start3A_288 = arith.constant 7 : i32
      %dma_start3A_289 = arith.constant 7 : i32
      %dma_start3A_290 = arith.constant 0 : i32
      %dma_start3A_291 = arith.constant 0 : i32
      %dma_start3A_292 = tpu.memref_slice %arg6[%dma_start3A_288, %dma_start3A_290, %dma_start3A_291] : memref<8x128x64xf32, #tpu.memory_space<vmem>> -> memref<1x128x64xf32, #tpu.memory_space<vmem>>
      %dma_start3A_293 = tpu.memref_squeeze %dma_start3A_292 : memref<1x128x64xf32, #tpu.memory_space<vmem>> -> memref<128x64xf32, #tpu.memory_space<vmem>>
      %dma_start3A_294 = arith.constant 0 : i32
      %dma_start3A_295 = tpu.memref_slice %arg5[%add3A_287, %dma_start3A_294] : memref<80x128xi32, #tpu.memory_space<vmem>> -> memref<1x128xi32, #tpu.memory_space<vmem>>
      %dma_start3A_296 = tpu.memref_squeeze %dma_start3A_295 : memref<1x128xi32, #tpu.memory_space<vmem>> -> memref<128xi32, #tpu.memory_space<vmem>>
      %dma_start3A_297 = arith.constant 0 : i32
      %dma_start3A_298 = arith.constant 0 : i32
      %dma_start3A_299 = tpu.memref_slice %arg3[%dma_start3A_297, %dma_start3A_298] : memref<1000000x64xf32, #tpu.memory_space<hbm>> -> memref<1000000x64xf32, #tpu.memory_space<hbm>>
      %dma_start3A_300 = tpu.memref_slice %arg7[%dma_start3A_289] : memref<8x!tpu.dma_semaphore, #tpu.memory_space<semaphore_mem>> -> memref<1x!tpu.dma_semaphore, #tpu.memory_space<semaphore_mem>>
      %dma_start3A_301 = tpu.memref_squeeze %dma_start3A_300 : memref<1x!tpu.dma_semaphore, #tpu.memory_space<semaphore_mem>> -> memref<!tpu.dma_semaphore, #tpu.memory_space<semaphore_mem>>
      tpu.enqueue_indirect_dma source(%dma_start3A_299 : memref<1000000x64xf32, #tpu.memory_space<hbm>>) target(%dma_start3A_293 : memref<128x64xf32, #tpu.memory_space<vmem>>) offsets(%dma_start3A_296 : memref<128xi32, #tpu.memory_space<vmem>>) semaphore(%dma_start3A_301 : memref<!tpu.dma_semaphore, #tpu.memory_space<semaphore_mem>>)
      %dma_wait3A_302 = arith.constant 0 : i32
      %dma_wait3A_303 = arith.constant 0 : i32
      %dma_wait3A_304 = arith.constant 0 : i32
      %dma_wait3A_305 = arith.constant 0 : i32
      %dma_wait3A_306 = tpu.memref_slice %arg6[%dma_wait3A_302, %dma_wait3A_304, %dma_wait3A_305] : memref<8x128x64xf32, #tpu.memory_space<vmem>> -> memref<1x128x64xf32, #tpu.memory_space<vmem>>
      %dma_wait3A_307 = tpu.memref_squeeze %dma_wait3A_306 : memref<1x128x64xf32, #tpu.memory_space<vmem>> -> memref<128x64xf32, #tpu.memory_space<vmem>>
      %dma_wait3A_308 = arith.constant 0 : i32
      %dma_wait3A_309 = tpu.memref_slice %arg5[%add3A_141, %dma_wait3A_308] : memref<80x128xi32, #tpu.memory_space<vmem>> -> memref<1x128xi32, #tpu.memory_space<vmem>>
      %dma_wait3A_310 = tpu.memref_squeeze %dma_wait3A_309 : memref<1x128xi32, #tpu.memory_space<vmem>> -> memref<128xi32, #tpu.memory_space<vmem>>
      %dma_wait3A_311 = arith.constant 0 : i32
      %dma_wait3A_312 = arith.constant 0 : i32
      %dma_wait3A_313 = tpu.memref_slice %arg3[%dma_wait3A_311, %dma_wait3A_312] : memref<1000000x64xf32, #tpu.memory_space<hbm>> -> memref<1000000x64xf32, #tpu.memory_space<hbm>>
      %dma_wait3A_314 = tpu.memref_slice %arg7[%dma_wait3A_303] : memref<8x!tpu.dma_semaphore, #tpu.memory_space<semaphore_mem>> -> memref<1x!tpu.dma_semaphore, #tpu.memory_space<semaphore_mem>>
      %dma_wait3A_315 = tpu.memref_squeeze %dma_wait3A_314 : memref<1x!tpu.dma_semaphore, #tpu.memory_space<semaphore_mem>> -> memref<!tpu.dma_semaphore, #tpu.memory_space<semaphore_mem>>
      tpu.wait_indirect_dma semaphore(%dma_wait3A_315 : memref<!tpu.dma_semaphore, #tpu.memory_space<semaphore_mem>>) src(%dma_wait3A_313 : memref<1000000x64xf32, #tpu.memory_space<hbm>>) dst(%dma_wait3A_307 : memref<128x64xf32, #tpu.memory_space<vmem>>)
      %add3A_316 = arith.constant 0 : i32
      %add3A_317 = arith.addi %mul3A_137, %add3A_316 : i32
      %mul3A_318 = arith.constant 128 : i32
      %mul3A_319 = arith.muli %add3A_317, %mul3A_318 : i32
      %add3A_320 = arith.addi %mul3A_2, %mul3A_319 : i32
      %dma_start3A_321 = arith.constant 0 : i32
      %dma_start3A_322 = arith.constant 0 : i32
      %dma_start3A_323 = arith.constant 0 : i32
      %dma_start3A_324 = arith.constant 0 : i32
      %dma_start3A_325 = tpu.memref_slice %arg6[%dma_start3A_321, %dma_start3A_323, %dma_start3A_324] : memref<8x128x64xf32, #tpu.memory_space<vmem>> -> memref<1x128x64xf32, #tpu.memory_space<vmem>>
      %dma_start3A_326 = tpu.memref_squeeze %dma_start3A_325 : memref<1x128x64xf32, #tpu.memory_space<vmem>> -> memref<128x64xf32, #tpu.memory_space<vmem>>
      %dma_start3A_327 = arith.constant 0 : i32
      %dma_start3A_328 = tpu.memref_slice %arg4[%add3A_320, %dma_start3A_327] : memref<327680x64xf32, #tpu.memory_space<hbm>> -> memref<128x64xf32, #tpu.memory_space<hbm>>
      %dma_start3A_329 = tpu.memref_slice %arg8[%dma_start3A_322] : memref<8x!tpu.dma_semaphore, #tpu.memory_space<semaphore_mem>> -> memref<1x!tpu.dma_semaphore, #tpu.memory_space<semaphore_mem>>
      %dma_start3A_330 = tpu.memref_squeeze %dma_start3A_329 : memref<1x!tpu.dma_semaphore, #tpu.memory_space<semaphore_mem>> -> memref<!tpu.dma_semaphore, #tpu.memory_space<semaphore_mem>>
      %dma_start3A_331 = arith.constant 0 : i32
      %dma_start3A_332 = tpu.memref_slice %arg4[%add3A_320, %dma_start3A_331] : memref<327680x64xf32, #tpu.memory_space<hbm>> -> memref<128x64xf32, #tpu.memory_space<hbm>>
      %dma_start3A_333 = arith.constant 0 : i32
      %dma_start3A_334 = arith.constant 0 : i32
      %dma_start3A_335 = tpu.memref_slice %arg6[%dma_start3A_321, %dma_start3A_333, %dma_start3A_334] : memref<8x128x64xf32, #tpu.memory_space<vmem>> -> memref<1x128x64xf32, #tpu.memory_space<vmem>>
      %dma_start3A_336 = tpu.memref_squeeze %dma_start3A_335 : memref<1x128x64xf32, #tpu.memory_space<vmem>> -> memref<128x64xf32, #tpu.memory_space<vmem>>
      tpu.enqueue_dma source(%dma_start3A_336 : memref<128x64xf32, #tpu.memory_space<vmem>>) target(%dma_start3A_332 : memref<128x64xf32, #tpu.memory_space<hbm>>) target_semaphore(%dma_start3A_330 : memref<!tpu.dma_semaphore, #tpu.memory_space<semaphore_mem>>)
      %dma_wait3A_337 = arith.constant 1 : i32
      %dma_wait3A_338 = arith.constant 1 : i32
      %dma_wait3A_339 = arith.constant 0 : i32
      %dma_wait3A_340 = arith.constant 0 : i32
      %dma_wait3A_341 = tpu.memref_slice %arg6[%dma_wait3A_337, %dma_wait3A_339, %dma_wait3A_340] : memref<8x128x64xf32, #tpu.memory_space<vmem>> -> memref<1x128x64xf32, #tpu.memory_space<vmem>>
      %dma_wait3A_342 = tpu.memref_squeeze %dma_wait3A_341 : memref<1x128x64xf32, #tpu.memory_space<vmem>> -> memref<128x64xf32, #tpu.memory_space<vmem>>
      %dma_wait3A_343 = arith.constant 0 : i32
      %dma_wait3A_344 = tpu.memref_slice %arg5[%add3A_161, %dma_wait3A_343] : memref<80x128xi32, #tpu.memory_space<vmem>> -> memref<1x128xi32, #tpu.memory_space<vmem>>
      %dma_wait3A_345 = tpu.memref_squeeze %dma_wait3A_344 : memref<1x128xi32, #tpu.memory_space<vmem>> -> memref<128xi32, #tpu.memory_space<vmem>>
      %dma_wait3A_346 = arith.constant 0 : i32
      %dma_wait3A_347 = arith.constant 0 : i32
      %dma_wait3A_348 = tpu.memref_slice %arg3[%dma_wait3A_346, %dma_wait3A_347] : memref<1000000x64xf32, #tpu.memory_space<hbm>> -> memref<1000000x64xf32, #tpu.memory_space<hbm>>
      %dma_wait3A_349 = tpu.memref_slice %arg7[%dma_wait3A_338] : memref<8x!tpu.dma_semaphore, #tpu.memory_space<semaphore_mem>> -> memref<1x!tpu.dma_semaphore, #tpu.memory_space<semaphore_mem>>
      %dma_wait3A_350 = tpu.memref_squeeze %dma_wait3A_349 : memref<1x!tpu.dma_semaphore, #tpu.memory_space<semaphore_mem>> -> memref<!tpu.dma_semaphore, #tpu.memory_space<semaphore_mem>>
      tpu.wait_indirect_dma semaphore(%dma_wait3A_350 : memref<!tpu.dma_semaphore, #tpu.memory_space<semaphore_mem>>) src(%dma_wait3A_348 : memref<1000000x64xf32, #tpu.memory_space<hbm>>) dst(%dma_wait3A_342 : memref<128x64xf32, #tpu.memory_space<vmem>>)
      %add3A_351 = arith.constant 1 : i32
      %add3A_352 = arith.addi %mul3A_137, %add3A_351 : i32
      %mul3A_353 = arith.constant 128 : i32
      %mul3A_354 = arith.muli %add3A_352, %mul3A_353 : i32
      %add3A_355 = arith.addi %mul3A_2, %mul3A_354 : i32
      %dma_start3A_356 = arith.constant 1 : i32
      %dma_start3A_357 = arith.constant 1 : i32
      %dma_start3A_358 = arith.constant 0 : i32
      %dma_start3A_359 = arith.constant 0 : i32
      %dma_start3A_360 = tpu.memref_slice %arg6[%dma_start3A_356, %dma_start3A_358, %dma_start3A_359] : memref<8x128x64xf32, #tpu.memory_space<vmem>> -> memref<1x128x64xf32, #tpu.memory_space<vmem>>
      %dma_start3A_361 = tpu.memref_squeeze %dma_start3A_360 : memref<1x128x64xf32, #tpu.memory_space<vmem>> -> memref<128x64xf32, #tpu.memory_space<vmem>>
      %dma_start3A_362 = arith.constant 0 : i32
      %dma_start3A_363 = tpu.memref_slice %arg4[%add3A_355, %dma_start3A_362] : memref<327680x64xf32, #tpu.memory_space<hbm>> -> memref<128x64xf32, #tpu.memory_space<hbm>>
      %dma_start3A_364 = tpu.memref_slice %arg8[%dma_start3A_357] : memref<8x!tpu.dma_semaphore, #tpu.memory_space<semaphore_mem>> -> memref<1x!tpu.dma_semaphore, #tpu.memory_space<semaphore_mem>>
      %dma_start3A_365 = tpu.memref_squeeze %dma_start3A_364 : memref<1x!tpu.dma_semaphore, #tpu.memory_space<semaphore_mem>> -> memref<!tpu.dma_semaphore, #tpu.memory_space<semaphore_mem>>
      %dma_start3A_366 = arith.constant 0 : i32
      %dma_start3A_367 = tpu.memref_slice %arg4[%add3A_355, %dma_start3A_366] : memref<327680x64xf32, #tpu.memory_space<hbm>> -> memref<128x64xf32, #tpu.memory_space<hbm>>
      %dma_start3A_368 = arith.constant 0 : i32
      %dma_start3A_369 = arith.constant 0 : i32
      %dma_start3A_370 = tpu.memref_slice %arg6[%dma_start3A_356, %dma_start3A_368, %dma_start3A_369] : memref<8x128x64xf32, #tpu.memory_space<vmem>> -> memref<1x128x64xf32, #tpu.memory_space<vmem>>
      %dma_start3A_371 = tpu.memref_squeeze %dma_start3A_370 : memref<1x128x64xf32, #tpu.memory_space<vmem>> -> memref<128x64xf32, #tpu.memory_space<vmem>>
      tpu.enqueue_dma source(%dma_start3A_371 : memref<128x64xf32, #tpu.memory_space<vmem>>) target(%dma_start3A_367 : memref<128x64xf32, #tpu.memory_space<hbm>>) target_semaphore(%dma_start3A_365 : memref<!tpu.dma_semaphore, #tpu.memory_space<semaphore_mem>>)
      %dma_wait3A_372 = arith.constant 2 : i32
      %dma_wait3A_373 = arith.constant 2 : i32
      %dma_wait3A_374 = arith.constant 0 : i32
      %dma_wait3A_375 = arith.constant 0 : i32
      %dma_wait3A_376 = tpu.memref_slice %arg6[%dma_wait3A_372, %dma_wait3A_374, %dma_wait3A_375] : memref<8x128x64xf32, #tpu.memory_space<vmem>> -> memref<1x128x64xf32, #tpu.memory_space<vmem>>
      %dma_wait3A_377 = tpu.memref_squeeze %dma_wait3A_376 : memref<1x128x64xf32, #tpu.memory_space<vmem>> -> memref<128x64xf32, #tpu.memory_space<vmem>>
      %dma_wait3A_378 = arith.constant 0 : i32
      %dma_wait3A_379 = tpu.memref_slice %arg5[%add3A_182, %dma_wait3A_378] : memref<80x128xi32, #tpu.memory_space<vmem>> -> memref<1x128xi32, #tpu.memory_space<vmem>>
      %dma_wait3A_380 = tpu.memref_squeeze %dma_wait3A_379 : memref<1x128xi32, #tpu.memory_space<vmem>> -> memref<128xi32, #tpu.memory_space<vmem>>
      %dma_wait3A_381 = arith.constant 0 : i32
      %dma_wait3A_382 = arith.constant 0 : i32
      %dma_wait3A_383 = tpu.memref_slice %arg3[%dma_wait3A_381, %dma_wait3A_382] : memref<1000000x64xf32, #tpu.memory_space<hbm>> -> memref<1000000x64xf32, #tpu.memory_space<hbm>>
      %dma_wait3A_384 = tpu.memref_slice %arg7[%dma_wait3A_373] : memref<8x!tpu.dma_semaphore, #tpu.memory_space<semaphore_mem>> -> memref<1x!tpu.dma_semaphore, #tpu.memory_space<semaphore_mem>>
      %dma_wait3A_385 = tpu.memref_squeeze %dma_wait3A_384 : memref<1x!tpu.dma_semaphore, #tpu.memory_space<semaphore_mem>> -> memref<!tpu.dma_semaphore, #tpu.memory_space<semaphore_mem>>
      tpu.wait_indirect_dma semaphore(%dma_wait3A_385 : memref<!tpu.dma_semaphore, #tpu.memory_space<semaphore_mem>>) src(%dma_wait3A_383 : memref<1000000x64xf32, #tpu.memory_space<hbm>>) dst(%dma_wait3A_377 : memref<128x64xf32, #tpu.memory_space<vmem>>)
      %add3A_386 = arith.constant 2 : i32
      %add3A_387 = arith.addi %mul3A_137, %add3A_386 : i32
      %mul3A_388 = arith.constant 128 : i32
      %mul3A_389 = arith.muli %add3A_387, %mul3A_388 : i32
      %add3A_390 = arith.addi %mul3A_2, %mul3A_389 : i32
      %dma_start3A_391 = arith.constant 2 : i32
      %dma_start3A_392 = arith.constant 2 : i32
      %dma_start3A_393 = arith.constant 0 : i32
      %dma_start3A_394 = arith.constant 0 : i32
      %dma_start3A_395 = tpu.memref_slice %arg6[%dma_start3A_391, %dma_start3A_393, %dma_start3A_394] : memref<8x128x64xf32, #tpu.memory_space<vmem>> -> memref<1x128x64xf32, #tpu.memory_space<vmem>>
      %dma_start3A_396 = tpu.memref_squeeze %dma_start3A_395 : memref<1x128x64xf32, #tpu.memory_space<vmem>> -> memref<128x64xf32, #tpu.memory_space<vmem>>
      %dma_start3A_397 = arith.constant 0 : i32
      %dma_start3A_398 = tpu.memref_slice %arg4[%add3A_390, %dma_start3A_397] : memref<327680x64xf32, #tpu.memory_space<hbm>> -> memref<128x64xf32, #tpu.memory_space<hbm>>
      %dma_start3A_399 = tpu.memref_slice %arg8[%dma_start3A_392] : memref<8x!tpu.dma_semaphore, #tpu.memory_space<semaphore_mem>> -> memref<1x!tpu.dma_semaphore, #tpu.memory_space<semaphore_mem>>
      %dma_start3A_400 = tpu.memref_squeeze %dma_start3A_399 : memref<1x!tpu.dma_semaphore, #tpu.memory_space<semaphore_mem>> -> memref<!tpu.dma_semaphore, #tpu.memory_space<semaphore_mem>>
      %dma_start3A_401 = arith.constant 0 : i32
      %dma_start3A_402 = tpu.memref_slice %arg4[%add3A_390, %dma_start3A_401] : memref<327680x64xf32, #tpu.memory_space<hbm>> -> memref<128x64xf32, #tpu.memory_space<hbm>>
      %dma_start3A_403 = arith.constant 0 : i32
      %dma_start3A_404 = arith.constant 0 : i32
      %dma_start3A_405 = tpu.memref_slice %arg6[%dma_start3A_391, %dma_start3A_403, %dma_start3A_404] : memref<8x128x64xf32, #tpu.memory_space<vmem>> -> memref<1x128x64xf32, #tpu.memory_space<vmem>>
      %dma_start3A_406 = tpu.memref_squeeze %dma_start3A_405 : memref<1x128x64xf32, #tpu.memory_space<vmem>> -> memref<128x64xf32, #tpu.memory_space<vmem>>
      tpu.enqueue_dma source(%dma_start3A_406 : memref<128x64xf32, #tpu.memory_space<vmem>>) target(%dma_start3A_402 : memref<128x64xf32, #tpu.memory_space<hbm>>) target_semaphore(%dma_start3A_400 : memref<!tpu.dma_semaphore, #tpu.memory_space<semaphore_mem>>)
      %dma_wait3A_407 = arith.constant 3 : i32
      %dma_wait3A_408 = arith.constant 3 : i32
      %dma_wait3A_409 = arith.constant 0 : i32
      %dma_wait3A_410 = arith.constant 0 : i32
      %dma_wait3A_411 = tpu.memref_slice %arg6[%dma_wait3A_407, %dma_wait3A_409, %dma_wait3A_410] : memref<8x128x64xf32, #tpu.memory_space<vmem>> -> memref<1x128x64xf32, #tpu.memory_space<vmem>>
      %dma_wait3A_412 = tpu.memref_squeeze %dma_wait3A_411 : memref<1x128x64xf32, #tpu.memory_space<vmem>> -> memref<128x64xf32, #tpu.memory_space<vmem>>
      %dma_wait3A_413 = arith.constant 0 : i32
      %dma_wait3A_414 = tpu.memref_slice %arg5[%add3A_203, %dma_wait3A_413] : memref<80x128xi32, #tpu.memory_space<vmem>> -> memref<1x128xi32, #tpu.memory_space<vmem>>
      %dma_wait3A_415 = tpu.memref_squeeze %dma_wait3A_414 : memref<1x128xi32, #tpu.memory_space<vmem>> -> memref<128xi32, #tpu.memory_space<vmem>>
      %dma_wait3A_416 = arith.constant 0 : i32
      %dma_wait3A_417 = arith.constant 0 : i32
      %dma_wait3A_418 = tpu.memref_slice %arg3[%dma_wait3A_416, %dma_wait3A_417] : memref<1000000x64xf32, #tpu.memory_space<hbm>> -> memref<1000000x64xf32, #tpu.memory_space<hbm>>
      %dma_wait3A_419 = tpu.memref_slice %arg7[%dma_wait3A_408] : memref<8x!tpu.dma_semaphore, #tpu.memory_space<semaphore_mem>> -> memref<1x!tpu.dma_semaphore, #tpu.memory_space<semaphore_mem>>
      %dma_wait3A_420 = tpu.memref_squeeze %dma_wait3A_419 : memref<1x!tpu.dma_semaphore, #tpu.memory_space<semaphore_mem>> -> memref<!tpu.dma_semaphore, #tpu.memory_space<semaphore_mem>>
      tpu.wait_indirect_dma semaphore(%dma_wait3A_420 : memref<!tpu.dma_semaphore, #tpu.memory_space<semaphore_mem>>) src(%dma_wait3A_418 : memref<1000000x64xf32, #tpu.memory_space<hbm>>) dst(%dma_wait3A_412 : memref<128x64xf32, #tpu.memory_space<vmem>>)
      %add3A_421 = arith.constant 3 : i32
      %add3A_422 = arith.addi %mul3A_137, %add3A_421 : i32
      %mul3A_423 = arith.constant 128 : i32
      %mul3A_424 = arith.muli %add3A_422, %mul3A_423 : i32
      %add3A_425 = arith.addi %mul3A_2, %mul3A_424 : i32
      %dma_start3A_426 = arith.constant 3 : i32
      %dma_start3A_427 = arith.constant 3 : i32
      %dma_start3A_428 = arith.constant 0 : i32
      %dma_start3A_429 = arith.constant 0 : i32
      %dma_start3A_430 = tpu.memref_slice %arg6[%dma_start3A_426, %dma_start3A_428, %dma_start3A_429] : memref<8x128x64xf32, #tpu.memory_space<vmem>> -> memref<1x128x64xf32, #tpu.memory_space<vmem>>
      %dma_start3A_431 = tpu.memref_squeeze %dma_start3A_430 : memref<1x128x64xf32, #tpu.memory_space<vmem>> -> memref<128x64xf32, #tpu.memory_space<vmem>>
      %dma_start3A_432 = arith.constant 0 : i32
      %dma_start3A_433 = tpu.memref_slice %arg4[%add3A_425, %dma_start3A_432] : memref<327680x64xf32, #tpu.memory_space<hbm>> -> memref<128x64xf32, #tpu.memory_space<hbm>>
      %dma_start3A_434 = tpu.memref_slice %arg8[%dma_start3A_427] : memref<8x!tpu.dma_semaphore, #tpu.memory_space<semaphore_mem>> -> memref<1x!tpu.dma_semaphore, #tpu.memory_space<semaphore_mem>>
      %dma_start3A_435 = tpu.memref_squeeze %dma_start3A_434 : memref<1x!tpu.dma_semaphore, #tpu.memory_space<semaphore_mem>> -> memref<!tpu.dma_semaphore, #tpu.memory_space<semaphore_mem>>
      %dma_start3A_436 = arith.constant 0 : i32
      %dma_start3A_437 = tpu.memref_slice %arg4[%add3A_425, %dma_start3A_436] : memref<327680x64xf32, #tpu.memory_space<hbm>> -> memref<128x64xf32, #tpu.memory_space<hbm>>
      %dma_start3A_438 = arith.constant 0 : i32
      %dma_start3A_439 = arith.constant 0 : i32
      %dma_start3A_440 = tpu.memref_slice %arg6[%dma_start3A_426, %dma_start3A_438, %dma_start3A_439] : memref<8x128x64xf32, #tpu.memory_space<vmem>> -> memref<1x128x64xf32, #tpu.memory_space<vmem>>
      %dma_start3A_441 = tpu.memref_squeeze %dma_start3A_440 : memref<1x128x64xf32, #tpu.memory_space<vmem>> -> memref<128x64xf32, #tpu.memory_space<vmem>>
      tpu.enqueue_dma source(%dma_start3A_441 : memref<128x64xf32, #tpu.memory_space<vmem>>) target(%dma_start3A_437 : memref<128x64xf32, #tpu.memory_space<hbm>>) target_semaphore(%dma_start3A_435 : memref<!tpu.dma_semaphore, #tpu.memory_space<semaphore_mem>>)
      %dma_wait3A_442 = arith.constant 4 : i32
      %dma_wait3A_443 = arith.constant 4 : i32
      %dma_wait3A_444 = arith.constant 0 : i32
      %dma_wait3A_445 = arith.constant 0 : i32
      %dma_wait3A_446 = tpu.memref_slice %arg6[%dma_wait3A_442, %dma_wait3A_444, %dma_wait3A_445] : memref<8x128x64xf32, #tpu.memory_space<vmem>> -> memref<1x128x64xf32, #tpu.memory_space<vmem>>
      %dma_wait3A_447 = tpu.memref_squeeze %dma_wait3A_446 : memref<1x128x64xf32, #tpu.memory_space<vmem>> -> memref<128x64xf32, #tpu.memory_space<vmem>>
      %dma_wait3A_448 = arith.constant 0 : i32
      %dma_wait3A_449 = tpu.memref_slice %arg5[%add3A_224, %dma_wait3A_448] : memref<80x128xi32, #tpu.memory_space<vmem>> -> memref<1x128xi32, #tpu.memory_space<vmem>>
      %dma_wait3A_450 = tpu.memref_squeeze %dma_wait3A_449 : memref<1x128xi32, #tpu.memory_space<vmem>> -> memref<128xi32, #tpu.memory_space<vmem>>
      %dma_wait3A_451 = arith.constant 0 : i32
      %dma_wait3A_452 = arith.constant 0 : i32
      %dma_wait3A_453 = tpu.memref_slice %arg3[%dma_wait3A_451, %dma_wait3A_452] : memref<1000000x64xf32, #tpu.memory_space<hbm>> -> memref<1000000x64xf32, #tpu.memory_space<hbm>>
      %dma_wait3A_454 = tpu.memref_slice %arg7[%dma_wait3A_443] : memref<8x!tpu.dma_semaphore, #tpu.memory_space<semaphore_mem>> -> memref<1x!tpu.dma_semaphore, #tpu.memory_space<semaphore_mem>>
      %dma_wait3A_455 = tpu.memref_squeeze %dma_wait3A_454 : memref<1x!tpu.dma_semaphore, #tpu.memory_space<semaphore_mem>> -> memref<!tpu.dma_semaphore, #tpu.memory_space<semaphore_mem>>
      tpu.wait_indirect_dma semaphore(%dma_wait3A_455 : memref<!tpu.dma_semaphore, #tpu.memory_space<semaphore_mem>>) src(%dma_wait3A_453 : memref<1000000x64xf32, #tpu.memory_space<hbm>>) dst(%dma_wait3A_447 : memref<128x64xf32, #tpu.memory_space<vmem>>)
      %add3A_456 = arith.constant 4 : i32
      %add3A_457 = arith.addi %mul3A_137, %add3A_456 : i32
      %mul3A_458 = arith.constant 128 : i32
      %mul3A_459 = arith.muli %add3A_457, %mul3A_458 : i32
      %add3A_460 = arith.addi %mul3A_2, %mul3A_459 : i32
      %dma_start3A_461 = arith.constant 4 : i32
      %dma_start3A_462 = arith.constant 4 : i32
      %dma_start3A_463 = arith.constant 0 : i32
      %dma_start3A_464 = arith.constant 0 : i32
      %dma_start3A_465 = tpu.memref_slice %arg6[%dma_start3A_461, %dma_start3A_463, %dma_start3A_464] : memref<8x128x64xf32, #tpu.memory_space<vmem>> -> memref<1x128x64xf32, #tpu.memory_space<vmem>>
      %dma_start3A_466 = tpu.memref_squeeze %dma_start3A_465 : memref<1x128x64xf32, #tpu.memory_space<vmem>> -> memref<128x64xf32, #tpu.memory_space<vmem>>
      %dma_start3A_467 = arith.constant 0 : i32
      %dma_start3A_468 = tpu.memref_slice %arg4[%add3A_460, %dma_start3A_467] : memref<327680x64xf32, #tpu.memory_space<hbm>> -> memref<128x64xf32, #tpu.memory_space<hbm>>
      %dma_start3A_469 = tpu.memref_slice %arg8[%dma_start3A_462] : memref<8x!tpu.dma_semaphore, #tpu.memory_space<semaphore_mem>> -> memref<1x!tpu.dma_semaphore, #tpu.memory_space<semaphore_mem>>
      %dma_start3A_470 = tpu.memref_squeeze %dma_start3A_469 : memref<1x!tpu.dma_semaphore, #tpu.memory_space<semaphore_mem>> -> memref<!tpu.dma_semaphore, #tpu.memory_space<semaphore_mem>>
      %dma_start3A_471 = arith.constant 0 : i32
      %dma_start3A_472 = tpu.memref_slice %arg4[%add3A_460, %dma_start3A_471] : memref<327680x64xf32, #tpu.memory_space<hbm>> -> memref<128x64xf32, #tpu.memory_space<hbm>>
      %dma_start3A_473 = arith.constant 0 : i32
      %dma_start3A_474 = arith.constant 0 : i32
      %dma_start3A_475 = tpu.memref_slice %arg6[%dma_start3A_461, %dma_start3A_473, %dma_start3A_474] : memref<8x128x64xf32, #tpu.memory_space<vmem>> -> memref<1x128x64xf32, #tpu.memory_space<vmem>>
      %dma_start3A_476 = tpu.memref_squeeze %dma_start3A_475 : memref<1x128x64xf32, #tpu.memory_space<vmem>> -> memref<128x64xf32, #tpu.memory_space<vmem>>
      tpu.enqueue_dma source(%dma_start3A_476 : memref<128x64xf32, #tpu.memory_space<vmem>>) target(%dma_start3A_472 : memref<128x64xf32, #tpu.memory_space<hbm>>) target_semaphore(%dma_start3A_470 : memref<!tpu.dma_semaphore, #tpu.memory_space<semaphore_mem>>)
      %dma_wait3A_477 = arith.constant 5 : i32
      %dma_wait3A_478 = arith.constant 5 : i32
      %dma_wait3A_479 = arith.constant 0 : i32
      %dma_wait3A_480 = arith.constant 0 : i32
      %dma_wait3A_481 = tpu.memref_slice %arg6[%dma_wait3A_477, %dma_wait3A_479, %dma_wait3A_480] : memref<8x128x64xf32, #tpu.memory_space<vmem>> -> memref<1x128x64xf32, #tpu.memory_space<vmem>>
      %dma_wait3A_482 = tpu.memref_squeeze %dma_wait3A_481 : memref<1x128x64xf32, #tpu.memory_space<vmem>> -> memref<128x64xf32, #tpu.memory_space<vmem>>
      %dma_wait3A_483 = arith.constant 0 : i32
      %dma_wait3A_484 = tpu.memref_slice %arg5[%add3A_245, %dma_wait3A_483] : memref<80x128xi32, #tpu.memory_space<vmem>> -> memref<1x128xi32, #tpu.memory_space<vmem>>
      %dma_wait3A_485 = tpu.memref_squeeze %dma_wait3A_484 : memref<1x128xi32, #tpu.memory_space<vmem>> -> memref<128xi32, #tpu.memory_space<vmem>>
      %dma_wait3A_486 = arith.constant 0 : i32
      %dma_wait3A_487 = arith.constant 0 : i32
      %dma_wait3A_488 = tpu.memref_slice %arg3[%dma_wait3A_486, %dma_wait3A_487] : memref<1000000x64xf32, #tpu.memory_space<hbm>> -> memref<1000000x64xf32, #tpu.memory_space<hbm>>
      %dma_wait3A_489 = tpu.memref_slice %arg7[%dma_wait3A_478] : memref<8x!tpu.dma_semaphore, #tpu.memory_space<semaphore_mem>> -> memref<1x!tpu.dma_semaphore, #tpu.memory_space<semaphore_mem>>
      %dma_wait3A_490 = tpu.memref_squeeze %dma_wait3A_489 : memref<1x!tpu.dma_semaphore, #tpu.memory_space<semaphore_mem>> -> memref<!tpu.dma_semaphore, #tpu.memory_space<semaphore_mem>>
      tpu.wait_indirect_dma semaphore(%dma_wait3A_490 : memref<!tpu.dma_semaphore, #tpu.memory_space<semaphore_mem>>) src(%dma_wait3A_488 : memref<1000000x64xf32, #tpu.memory_space<hbm>>) dst(%dma_wait3A_482 : memref<128x64xf32, #tpu.memory_space<vmem>>)
      %add3A_491 = arith.constant 5 : i32
      %add3A_492 = arith.addi %mul3A_137, %add3A_491 : i32
      %mul3A_493 = arith.constant 128 : i32
      %mul3A_494 = arith.muli %add3A_492, %mul3A_493 : i32
      %add3A_495 = arith.addi %mul3A_2, %mul3A_494 : i32
      %dma_start3A_496 = arith.constant 5 : i32
      %dma_start3A_497 = arith.constant 5 : i32
      %dma_start3A_498 = arith.constant 0 : i32
      %dma_start3A_499 = arith.constant 0 : i32
      %dma_start3A_500 = tpu.memref_slice %arg6[%dma_start3A_496, %dma_start3A_498, %dma_start3A_499] : memref<8x128x64xf32, #tpu.memory_space<vmem>> -> memref<1x128x64xf32, #tpu.memory_space<vmem>>
      %dma_start3A_501 = tpu.memref_squeeze %dma_start3A_500 : memref<1x128x64xf32, #tpu.memory_space<vmem>> -> memref<128x64xf32, #tpu.memory_space<vmem>>
      %dma_start3A_502 = arith.constant 0 : i32
      %dma_start3A_503 = tpu.memref_slice %arg4[%add3A_495, %dma_start3A_502] : memref<327680x64xf32, #tpu.memory_space<hbm>> -> memref<128x64xf32, #tpu.memory_space<hbm>>
      %dma_start3A_504 = tpu.memref_slice %arg8[%dma_start3A_497] : memref<8x!tpu.dma_semaphore, #tpu.memory_space<semaphore_mem>> -> memref<1x!tpu.dma_semaphore, #tpu.memory_space<semaphore_mem>>
      %dma_start3A_505 = tpu.memref_squeeze %dma_start3A_504 : memref<1x!tpu.dma_semaphore, #tpu.memory_space<semaphore_mem>> -> memref<!tpu.dma_semaphore, #tpu.memory_space<semaphore_mem>>
      %dma_start3A_506 = arith.constant 0 : i32
      %dma_start3A_507 = tpu.memref_slice %arg4[%add3A_495, %dma_start3A_506] : memref<327680x64xf32, #tpu.memory_space<hbm>> -> memref<128x64xf32, #tpu.memory_space<hbm>>
      %dma_start3A_508 = arith.constant 0 : i32
      %dma_start3A_509 = arith.constant 0 : i32
      %dma_start3A_510 = tpu.memref_slice %arg6[%dma_start3A_496, %dma_start3A_508, %dma_start3A_509] : memref<8x128x64xf32, #tpu.memory_space<vmem>> -> memref<1x128x64xf32, #tpu.memory_space<vmem>>
      %dma_start3A_511 = tpu.memref_squeeze %dma_start3A_510 : memref<1x128x64xf32, #tpu.memory_space<vmem>> -> memref<128x64xf32, #tpu.memory_space<vmem>>
      tpu.enqueue_dma source(%dma_start3A_511 : memref<128x64xf32, #tpu.memory_space<vmem>>) target(%dma_start3A_507 : memref<128x64xf32, #tpu.memory_space<hbm>>) target_semaphore(%dma_start3A_505 : memref<!tpu.dma_semaphore, #tpu.memory_space<semaphore_mem>>)
      %dma_wait3A_512 = arith.constant 6 : i32
      %dma_wait3A_513 = arith.constant 6 : i32
      %dma_wait3A_514 = arith.constant 0 : i32
      %dma_wait3A_515 = arith.constant 0 : i32
      %dma_wait3A_516 = tpu.memref_slice %arg6[%dma_wait3A_512, %dma_wait3A_514, %dma_wait3A_515] : memref<8x128x64xf32, #tpu.memory_space<vmem>> -> memref<1x128x64xf32, #tpu.memory_space<vmem>>
      %dma_wait3A_517 = tpu.memref_squeeze %dma_wait3A_516 : memref<1x128x64xf32, #tpu.memory_space<vmem>> -> memref<128x64xf32, #tpu.memory_space<vmem>>
      %dma_wait3A_518 = arith.constant 0 : i32
      %dma_wait3A_519 = tpu.memref_slice %arg5[%add3A_266, %dma_wait3A_518] : memref<80x128xi32, #tpu.memory_space<vmem>> -> memref<1x128xi32, #tpu.memory_space<vmem>>
      %dma_wait3A_520 = tpu.memref_squeeze %dma_wait3A_519 : memref<1x128xi32, #tpu.memory_space<vmem>> -> memref<128xi32, #tpu.memory_space<vmem>>
      %dma_wait3A_521 = arith.constant 0 : i32
      %dma_wait3A_522 = arith.constant 0 : i32
      %dma_wait3A_523 = tpu.memref_slice %arg3[%dma_wait3A_521, %dma_wait3A_522] : memref<1000000x64xf32, #tpu.memory_space<hbm>> -> memref<1000000x64xf32, #tpu.memory_space<hbm>>
      %dma_wait3A_524 = tpu.memref_slice %arg7[%dma_wait3A_513] : memref<8x!tpu.dma_semaphore, #tpu.memory_space<semaphore_mem>> -> memref<1x!tpu.dma_semaphore, #tpu.memory_space<semaphore_mem>>
      %dma_wait3A_525 = tpu.memref_squeeze %dma_wait3A_524 : memref<1x!tpu.dma_semaphore, #tpu.memory_space<semaphore_mem>> -> memref<!tpu.dma_semaphore, #tpu.memory_space<semaphore_mem>>
      tpu.wait_indirect_dma semaphore(%dma_wait3A_525 : memref<!tpu.dma_semaphore, #tpu.memory_space<semaphore_mem>>) src(%dma_wait3A_523 : memref<1000000x64xf32, #tpu.memory_space<hbm>>) dst(%dma_wait3A_517 : memref<128x64xf32, #tpu.memory_space<vmem>>)
      %add3A_526 = arith.constant 6 : i32
      %add3A_527 = arith.addi %mul3A_137, %add3A_526 : i32
      %mul3A_528 = arith.constant 128 : i32
      %mul3A_529 = arith.muli %add3A_527, %mul3A_528 : i32
      %add3A_530 = arith.addi %mul3A_2, %mul3A_529 : i32
      %dma_start3A_531 = arith.constant 6 : i32
      %dma_start3A_532 = arith.constant 6 : i32
      %dma_start3A_533 = arith.constant 0 : i32
      %dma_start3A_534 = arith.constant 0 : i32
      %dma_start3A_535 = tpu.memref_slice %arg6[%dma_start3A_531, %dma_start3A_533, %dma_start3A_534] : memref<8x128x64xf32, #tpu.memory_space<vmem>> -> memref<1x128x64xf32, #tpu.memory_space<vmem>>
      %dma_start3A_536 = tpu.memref_squeeze %dma_start3A_535 : memref<1x128x64xf32, #tpu.memory_space<vmem>> -> memref<128x64xf32, #tpu.memory_space<vmem>>
      %dma_start3A_537 = arith.constant 0 : i32
      %dma_start3A_538 = tpu.memref_slice %arg4[%add3A_530, %dma_start3A_537] : memref<327680x64xf32, #tpu.memory_space<hbm>> -> memref<128x64xf32, #tpu.memory_space<hbm>>
      %dma_start3A_539 = tpu.memref_slice %arg8[%dma_start3A_532] : memref<8x!tpu.dma_semaphore, #tpu.memory_space<semaphore_mem>> -> memref<1x!tpu.dma_semaphore, #tpu.memory_space<semaphore_mem>>
      %dma_start3A_540 = tpu.memref_squeeze %dma_start3A_539 : memref<1x!tpu.dma_semaphore, #tpu.memory_space<semaphore_mem>> -> memref<!tpu.dma_semaphore, #tpu.memory_space<semaphore_mem>>
      %dma_start3A_541 = arith.constant 0 : i32
      %dma_start3A_542 = tpu.memref_slice %arg4[%add3A_530, %dma_start3A_541] : memref<327680x64xf32, #tpu.memory_space<hbm>> -> memref<128x64xf32, #tpu.memory_space<hbm>>
      %dma_start3A_543 = arith.constant 0 : i32
      %dma_start3A_544 = arith.constant 0 : i32
      %dma_start3A_545 = tpu.memref_slice %arg6[%dma_start3A_531, %dma_start3A_543, %dma_start3A_544] : memref<8x128x64xf32, #tpu.memory_space<vmem>> -> memref<1x128x64xf32, #tpu.memory_space<vmem>>
      %dma_start3A_546 = tpu.memref_squeeze %dma_start3A_545 : memref<1x128x64xf32, #tpu.memory_space<vmem>> -> memref<128x64xf32, #tpu.memory_space<vmem>>
      tpu.enqueue_dma source(%dma_start3A_546 : memref<128x64xf32, #tpu.memory_space<vmem>>) target(%dma_start3A_542 : memref<128x64xf32, #tpu.memory_space<hbm>>) target_semaphore(%dma_start3A_540 : memref<!tpu.dma_semaphore, #tpu.memory_space<semaphore_mem>>)
      %dma_wait3A_547 = arith.constant 7 : i32
      %dma_wait3A_548 = arith.constant 7 : i32
      %dma_wait3A_549 = arith.constant 0 : i32
      %dma_wait3A_550 = arith.constant 0 : i32
      %dma_wait3A_551 = tpu.memref_slice %arg6[%dma_wait3A_547, %dma_wait3A_549, %dma_wait3A_550] : memref<8x128x64xf32, #tpu.memory_space<vmem>> -> memref<1x128x64xf32, #tpu.memory_space<vmem>>
      %dma_wait3A_552 = tpu.memref_squeeze %dma_wait3A_551 : memref<1x128x64xf32, #tpu.memory_space<vmem>> -> memref<128x64xf32, #tpu.memory_space<vmem>>
      %dma_wait3A_553 = arith.constant 0 : i32
      %dma_wait3A_554 = tpu.memref_slice %arg5[%add3A_287, %dma_wait3A_553] : memref<80x128xi32, #tpu.memory_space<vmem>> -> memref<1x128xi32, #tpu.memory_space<vmem>>
      %dma_wait3A_555 = tpu.memref_squeeze %dma_wait3A_554 : memref<1x128xi32, #tpu.memory_space<vmem>> -> memref<128xi32, #tpu.memory_space<vmem>>
      %dma_wait3A_556 = arith.constant 0 : i32
      %dma_wait3A_557 = arith.constant 0 : i32
      %dma_wait3A_558 = tpu.memref_slice %arg3[%dma_wait3A_556, %dma_wait3A_557] : memref<1000000x64xf32, #tpu.memory_space<hbm>> -> memref<1000000x64xf32, #tpu.memory_space<hbm>>
      %dma_wait3A_559 = tpu.memref_slice %arg7[%dma_wait3A_548] : memref<8x!tpu.dma_semaphore, #tpu.memory_space<semaphore_mem>> -> memref<1x!tpu.dma_semaphore, #tpu.memory_space<semaphore_mem>>
      %dma_wait3A_560 = tpu.memref_squeeze %dma_wait3A_559 : memref<1x!tpu.dma_semaphore, #tpu.memory_space<semaphore_mem>> -> memref<!tpu.dma_semaphore, #tpu.memory_space<semaphore_mem>>
      tpu.wait_indirect_dma semaphore(%dma_wait3A_560 : memref<!tpu.dma_semaphore, #tpu.memory_space<semaphore_mem>>) src(%dma_wait3A_558 : memref<1000000x64xf32, #tpu.memory_space<hbm>>) dst(%dma_wait3A_552 : memref<128x64xf32, #tpu.memory_space<vmem>>)
      %add3A_561 = arith.constant 7 : i32
      %add3A_562 = arith.addi %mul3A_137, %add3A_561 : i32
      %mul3A_563 = arith.constant 128 : i32
      %mul3A_564 = arith.muli %add3A_562, %mul3A_563 : i32
      %add3A_565 = arith.addi %mul3A_2, %mul3A_564 : i32
      %dma_start3A_566 = arith.constant 7 : i32
      %dma_start3A_567 = arith.constant 7 : i32
      %dma_start3A_568 = arith.constant 0 : i32
      %dma_start3A_569 = arith.constant 0 : i32
      %dma_start3A_570 = tpu.memref_slice %arg6[%dma_start3A_566, %dma_start3A_568, %dma_start3A_569] : memref<8x128x64xf32, #tpu.memory_space<vmem>> -> memref<1x128x64xf32, #tpu.memory_space<vmem>>
      %dma_start3A_571 = tpu.memref_squeeze %dma_start3A_570 : memref<1x128x64xf32, #tpu.memory_space<vmem>> -> memref<128x64xf32, #tpu.memory_space<vmem>>
      %dma_start3A_572 = arith.constant 0 : i32
      %dma_start3A_573 = tpu.memref_slice %arg4[%add3A_565, %dma_start3A_572] : memref<327680x64xf32, #tpu.memory_space<hbm>> -> memref<128x64xf32, #tpu.memory_space<hbm>>
      %dma_start3A_574 = tpu.memref_slice %arg8[%dma_start3A_567] : memref<8x!tpu.dma_semaphore, #tpu.memory_space<semaphore_mem>> -> memref<1x!tpu.dma_semaphore, #tpu.memory_space<semaphore_mem>>
      %dma_start3A_575 = tpu.memref_squeeze %dma_start3A_574 : memref<1x!tpu.dma_semaphore, #tpu.memory_space<semaphore_mem>> -> memref<!tpu.dma_semaphore, #tpu.memory_space<semaphore_mem>>
      %dma_start3A_576 = arith.constant 0 : i32
      %dma_start3A_577 = tpu.memref_slice %arg4[%add3A_565, %dma_start3A_576] : memref<327680x64xf32, #tpu.memory_space<hbm>> -> memref<128x64xf32, #tpu.memory_space<hbm>>
      %dma_start3A_578 = arith.constant 0 : i32
      %dma_start3A_579 = arith.constant 0 : i32
      %dma_start3A_580 = tpu.memref_slice %arg6[%dma_start3A_566, %dma_start3A_578, %dma_start3A_579] : memref<8x128x64xf32, #tpu.memory_space<vmem>> -> memref<1x128x64xf32, #tpu.memory_space<vmem>>
      %dma_start3A_581 = tpu.memref_squeeze %dma_start3A_580 : memref<1x128x64xf32, #tpu.memory_space<vmem>> -> memref<128x64xf32, #tpu.memory_space<vmem>>
      tpu.enqueue_dma source(%dma_start3A_581 : memref<128x64xf32, #tpu.memory_space<vmem>>) target(%dma_start3A_577 : memref<128x64xf32, #tpu.memory_space<hbm>>) target_semaphore(%dma_start3A_575 : memref<!tpu.dma_semaphore, #tpu.memory_space<semaphore_mem>>)
    }
    %scan3A_7 = arith.constant 10 : i32
    %dma_wait3A = arith.constant 0 : i32
    %dma_wait3A_8 = arith.constant 0 : i32
    %dma_wait3A_9 = arith.constant 0 : i32
    %dma_wait3A_10 = arith.constant 0 : i32
    %dma_wait3A_11 = tpu.memref_slice %arg6[%dma_wait3A, %dma_wait3A_9, %dma_wait3A_10] : memref<8x128x64xf32, #tpu.memory_space<vmem>> -> memref<1x128x64xf32, #tpu.memory_space<vmem>>
    %dma_wait3A_12 = tpu.memref_squeeze %dma_wait3A_11 : memref<1x128x64xf32, #tpu.memory_space<vmem>> -> memref<128x64xf32, #tpu.memory_space<vmem>>
    %dma_wait3A_13 = arith.constant 0 : i32
    %dma_wait3A_14 = tpu.memref_slice %arg4[%mul3A_2, %dma_wait3A_13] : memref<327680x64xf32, #tpu.memory_space<hbm>> -> memref<128x64xf32, #tpu.memory_space<hbm>>
    %dma_wait3A_15 = tpu.memref_slice %arg8[%dma_wait3A_8] : memref<8x!tpu.dma_semaphore, #tpu.memory_space<semaphore_mem>> -> memref<1x!tpu.dma_semaphore, #tpu.memory_space<semaphore_mem>>
    %dma_wait3A_16 = tpu.memref_squeeze %dma_wait3A_15 : memref<1x!tpu.dma_semaphore, #tpu.memory_space<semaphore_mem>> -> memref<!tpu.dma_semaphore, #tpu.memory_space<semaphore_mem>>
    %dma_wait3A_17 = arith.constant 0 : i32
    %dma_wait3A_18 = tpu.memref_slice %arg4[%mul3A_2, %dma_wait3A_17] : memref<327680x64xf32, #tpu.memory_space<hbm>> -> memref<128x64xf32, #tpu.memory_space<hbm>>
    %dma_wait3A_19 = arith.constant 0 : i32
    %dma_wait3A_20 = arith.constant 0 : i32
    %dma_wait3A_21 = tpu.memref_slice %arg6[%dma_wait3A, %dma_wait3A_19, %dma_wait3A_20] : memref<8x128x64xf32, #tpu.memory_space<vmem>> -> memref<1x128x64xf32, #tpu.memory_space<vmem>>
    %dma_wait3A_22 = tpu.memref_squeeze %dma_wait3A_21 : memref<1x128x64xf32, #tpu.memory_space<vmem>> -> memref<128x64xf32, #tpu.memory_space<vmem>>
    tpu.wait_dma2 semaphore(%dma_wait3A_16 : memref<!tpu.dma_semaphore, #tpu.memory_space<semaphore_mem>>) src(%dma_wait3A_22 : memref<128x64xf32, #tpu.memory_space<vmem>>) dst(%dma_wait3A_18 : memref<128x64xf32, #tpu.memory_space<hbm>>)
    %dma_wait3A_23 = arith.constant 1 : i32
    %dma_wait3A_24 = arith.constant 1 : i32
    %dma_wait3A_25 = arith.constant 0 : i32
    %dma_wait3A_26 = arith.constant 0 : i32
    %dma_wait3A_27 = tpu.memref_slice %arg6[%dma_wait3A_23, %dma_wait3A_25, %dma_wait3A_26] : memref<8x128x64xf32, #tpu.memory_space<vmem>> -> memref<1x128x64xf32, #tpu.memory_space<vmem>>
    %dma_wait3A_28 = tpu.memref_squeeze %dma_wait3A_27 : memref<1x128x64xf32, #tpu.memory_space<vmem>> -> memref<128x64xf32, #tpu.memory_space<vmem>>
    %dma_wait3A_29 = arith.constant 0 : i32
    %dma_wait3A_30 = tpu.memref_slice %arg4[%mul3A_2, %dma_wait3A_29] : memref<327680x64xf32, #tpu.memory_space<hbm>> -> memref<128x64xf32, #tpu.memory_space<hbm>>
    %dma_wait3A_31 = tpu.memref_slice %arg8[%dma_wait3A_24] : memref<8x!tpu.dma_semaphore, #tpu.memory_space<semaphore_mem>> -> memref<1x!tpu.dma_semaphore, #tpu.memory_space<semaphore_mem>>
    %dma_wait3A_32 = tpu.memref_squeeze %dma_wait3A_31 : memref<1x!tpu.dma_semaphore, #tpu.memory_space<semaphore_mem>> -> memref<!tpu.dma_semaphore, #tpu.memory_space<semaphore_mem>>
    %dma_wait3A_33 = arith.constant 0 : i32
    %dma_wait3A_34 = tpu.memref_slice %arg4[%mul3A_2, %dma_wait3A_33] : memref<327680x64xf32, #tpu.memory_space<hbm>> -> memref<128x64xf32, #tpu.memory_space<hbm>>
    %dma_wait3A_35 = arith.constant 0 : i32
    %dma_wait3A_36 = arith.constant 0 : i32
    %dma_wait3A_37 = tpu.memref_slice %arg6[%dma_wait3A_23, %dma_wait3A_35, %dma_wait3A_36] : memref<8x128x64xf32, #tpu.memory_space<vmem>> -> memref<1x128x64xf32, #tpu.memory_space<vmem>>
    %dma_wait3A_38 = tpu.memref_squeeze %dma_wait3A_37 : memref<1x128x64xf32, #tpu.memory_space<vmem>> -> memref<128x64xf32, #tpu.memory_space<vmem>>
    tpu.wait_dma2 semaphore(%dma_wait3A_32 : memref<!tpu.dma_semaphore, #tpu.memory_space<semaphore_mem>>) src(%dma_wait3A_38 : memref<128x64xf32, #tpu.memory_space<vmem>>) dst(%dma_wait3A_34 : memref<128x64xf32, #tpu.memory_space<hbm>>)
    %dma_wait3A_39 = arith.constant 2 : i32
    %dma_wait3A_40 = arith.constant 2 : i32
    %dma_wait3A_41 = arith.constant 0 : i32
    %dma_wait3A_42 = arith.constant 0 : i32
    %dma_wait3A_43 = tpu.memref_slice %arg6[%dma_wait3A_39, %dma_wait3A_41, %dma_wait3A_42] : memref<8x128x64xf32, #tpu.memory_space<vmem>> -> memref<1x128x64xf32, #tpu.memory_space<vmem>>
    %dma_wait3A_44 = tpu.memref_squeeze %dma_wait3A_43 : memref<1x128x64xf32, #tpu.memory_space<vmem>> -> memref<128x64xf32, #tpu.memory_space<vmem>>
    %dma_wait3A_45 = arith.constant 0 : i32
    %dma_wait3A_46 = tpu.memref_slice %arg4[%mul3A_2, %dma_wait3A_45] : memref<327680x64xf32, #tpu.memory_space<hbm>> -> memref<128x64xf32, #tpu.memory_space<hbm>>
    %dma_wait3A_47 = tpu.memref_slice %arg8[%dma_wait3A_40] : memref<8x!tpu.dma_semaphore, #tpu.memory_space<semaphore_mem>> -> memref<1x!tpu.dma_semaphore, #tpu.memory_space<semaphore_mem>>
    %dma_wait3A_48 = tpu.memref_squeeze %dma_wait3A_47 : memref<1x!tpu.dma_semaphore, #tpu.memory_space<semaphore_mem>> -> memref<!tpu.dma_semaphore, #tpu.memory_space<semaphore_mem>>
    %dma_wait3A_49 = arith.constant 0 : i32
    %dma_wait3A_50 = tpu.memref_slice %arg4[%mul3A_2, %dma_wait3A_49] : memref<327680x64xf32, #tpu.memory_space<hbm>> -> memref<128x64xf32, #tpu.memory_space<hbm>>
    %dma_wait3A_51 = arith.constant 0 : i32
    %dma_wait3A_52 = arith.constant 0 : i32
    %dma_wait3A_53 = tpu.memref_slice %arg6[%dma_wait3A_39, %dma_wait3A_51, %dma_wait3A_52] : memref<8x128x64xf32, #tpu.memory_space<vmem>> -> memref<1x128x64xf32, #tpu.memory_space<vmem>>
    %dma_wait3A_54 = tpu.memref_squeeze %dma_wait3A_53 : memref<1x128x64xf32, #tpu.memory_space<vmem>> -> memref<128x64xf32, #tpu.memory_space<vmem>>
    tpu.wait_dma2 semaphore(%dma_wait3A_48 : memref<!tpu.dma_semaphore, #tpu.memory_space<semaphore_mem>>) src(%dma_wait3A_54 : memref<128x64xf32, #tpu.memory_space<vmem>>) dst(%dma_wait3A_50 : memref<128x64xf32, #tpu.memory_space<hbm>>)
    %dma_wait3A_55 = arith.constant 3 : i32
    %dma_wait3A_56 = arith.constant 3 : i32
    %dma_wait3A_57 = arith.constant 0 : i32
    %dma_wait3A_58 = arith.constant 0 : i32
    %dma_wait3A_59 = tpu.memref_slice %arg6[%dma_wait3A_55, %dma_wait3A_57, %dma_wait3A_58] : memref<8x128x64xf32, #tpu.memory_space<vmem>> -> memref<1x128x64xf32, #tpu.memory_space<vmem>>
    %dma_wait3A_60 = tpu.memref_squeeze %dma_wait3A_59 : memref<1x128x64xf32, #tpu.memory_space<vmem>> -> memref<128x64xf32, #tpu.memory_space<vmem>>
    %dma_wait3A_61 = arith.constant 0 : i32
    %dma_wait3A_62 = tpu.memref_slice %arg4[%mul3A_2, %dma_wait3A_61] : memref<327680x64xf32, #tpu.memory_space<hbm>> -> memref<128x64xf32, #tpu.memory_space<hbm>>
    %dma_wait3A_63 = tpu.memref_slice %arg8[%dma_wait3A_56] : memref<8x!tpu.dma_semaphore, #tpu.memory_space<semaphore_mem>> -> memref<1x!tpu.dma_semaphore, #tpu.memory_space<semaphore_mem>>
    %dma_wait3A_64 = tpu.memref_squeeze %dma_wait3A_63 : memref<1x!tpu.dma_semaphore, #tpu.memory_space<semaphore_mem>> -> memref<!tpu.dma_semaphore, #tpu.memory_space<semaphore_mem>>
    %dma_wait3A_65 = arith.constant 0 : i32
    %dma_wait3A_66 = tpu.memref_slice %arg4[%mul3A_2, %dma_wait3A_65] : memref<327680x64xf32, #tpu.memory_space<hbm>> -> memref<128x64xf32, #tpu.memory_space<hbm>>
    %dma_wait3A_67 = arith.constant 0 : i32
    %dma_wait3A_68 = arith.constant 0 : i32
    %dma_wait3A_69 = tpu.memref_slice %arg6[%dma_wait3A_55, %dma_wait3A_67, %dma_wait3A_68] : memref<8x128x64xf32, #tpu.memory_space<vmem>> -> memref<1x128x64xf32, #tpu.memory_space<vmem>>
    %dma_wait3A_70 = tpu.memref_squeeze %dma_wait3A_69 : memref<1x128x64xf32, #tpu.memory_space<vmem>> -> memref<128x64xf32, #tpu.memory_space<vmem>>
    tpu.wait_dma2 semaphore(%dma_wait3A_64 : memref<!tpu.dma_semaphore, #tpu.memory_space<semaphore_mem>>) src(%dma_wait3A_70 : memref<128x64xf32, #tpu.memory_space<vmem>>) dst(%dma_wait3A_66 : memref<128x64xf32, #tpu.memory_space<hbm>>)
    %dma_wait3A_71 = arith.constant 4 : i32
    %dma_wait3A_72 = arith.constant 4 : i32
    %dma_wait3A_73 = arith.constant 0 : i32
    %dma_wait3A_74 = arith.constant 0 : i32
    %dma_wait3A_75 = tpu.memref_slice %arg6[%dma_wait3A_71, %dma_wait3A_73, %dma_wait3A_74] : memref<8x128x64xf32, #tpu.memory_space<vmem>> -> memref<1x128x64xf32, #tpu.memory_space<vmem>>
    %dma_wait3A_76 = tpu.memref_squeeze %dma_wait3A_75 : memref<1x128x64xf32, #tpu.memory_space<vmem>> -> memref<128x64xf32, #tpu.memory_space<vmem>>
    %dma_wait3A_77 = arith.constant 0 : i32
    %dma_wait3A_78 = tpu.memref_slice %arg4[%mul3A_2, %dma_wait3A_77] : memref<327680x64xf32, #tpu.memory_space<hbm>> -> memref<128x64xf32, #tpu.memory_space<hbm>>
    %dma_wait3A_79 = tpu.memref_slice %arg8[%dma_wait3A_72] : memref<8x!tpu.dma_semaphore, #tpu.memory_space<semaphore_mem>> -> memref<1x!tpu.dma_semaphore, #tpu.memory_space<semaphore_mem>>
    %dma_wait3A_80 = tpu.memref_squeeze %dma_wait3A_79 : memref<1x!tpu.dma_semaphore, #tpu.memory_space<semaphore_mem>> -> memref<!tpu.dma_semaphore, #tpu.memory_space<semaphore_mem>>
    %dma_wait3A_81 = arith.constant 0 : i32
    %dma_wait3A_82 = tpu.memref_slice %arg4[%mul3A_2, %dma_wait3A_81] : memref<327680x64xf32, #tpu.memory_space<hbm>> -> memref<128x64xf32, #tpu.memory_space<hbm>>
    %dma_wait3A_83 = arith.constant 0 : i32
    %dma_wait3A_84 = arith.constant 0 : i32
    %dma_wait3A_85 = tpu.memref_slice %arg6[%dma_wait3A_71, %dma_wait3A_83, %dma_wait3A_84] : memref<8x128x64xf32, #tpu.memory_space<vmem>> -> memref<1x128x64xf32, #tpu.memory_space<vmem>>
    %dma_wait3A_86 = tpu.memref_squeeze %dma_wait3A_85 : memref<1x128x64xf32, #tpu.memory_space<vmem>> -> memref<128x64xf32, #tpu.memory_space<vmem>>
    tpu.wait_dma2 semaphore(%dma_wait3A_80 : memref<!tpu.dma_semaphore, #tpu.memory_space<semaphore_mem>>) src(%dma_wait3A_86 : memref<128x64xf32, #tpu.memory_space<vmem>>) dst(%dma_wait3A_82 : memref<128x64xf32, #tpu.memory_space<hbm>>)
    %dma_wait3A_87 = arith.constant 5 : i32
    %dma_wait3A_88 = arith.constant 5 : i32
    %dma_wait3A_89 = arith.constant 0 : i32
    %dma_wait3A_90 = arith.constant 0 : i32
    %dma_wait3A_91 = tpu.memref_slice %arg6[%dma_wait3A_87, %dma_wait3A_89, %dma_wait3A_90] : memref<8x128x64xf32, #tpu.memory_space<vmem>> -> memref<1x128x64xf32, #tpu.memory_space<vmem>>
    %dma_wait3A_92 = tpu.memref_squeeze %dma_wait3A_91 : memref<1x128x64xf32, #tpu.memory_space<vmem>> -> memref<128x64xf32, #tpu.memory_space<vmem>>
    %dma_wait3A_93 = arith.constant 0 : i32
    %dma_wait3A_94 = tpu.memref_slice %arg4[%mul3A_2, %dma_wait3A_93] : memref<327680x64xf32, #tpu.memory_space<hbm>> -> memref<128x64xf32, #tpu.memory_space<hbm>>
    %dma_wait3A_95 = tpu.memref_slice %arg8[%dma_wait3A_88] : memref<8x!tpu.dma_semaphore, #tpu.memory_space<semaphore_mem>> -> memref<1x!tpu.dma_semaphore, #tpu.memory_space<semaphore_mem>>
    %dma_wait3A_96 = tpu.memref_squeeze %dma_wait3A_95 : memref<1x!tpu.dma_semaphore, #tpu.memory_space<semaphore_mem>> -> memref<!tpu.dma_semaphore, #tpu.memory_space<semaphore_mem>>
    %dma_wait3A_97 = arith.constant 0 : i32
    %dma_wait3A_98 = tpu.memref_slice %arg4[%mul3A_2, %dma_wait3A_97] : memref<327680x64xf32, #tpu.memory_space<hbm>> -> memref<128x64xf32, #tpu.memory_space<hbm>>
    %dma_wait3A_99 = arith.constant 0 : i32
    %dma_wait3A_100 = arith.constant 0 : i32
    %dma_wait3A_101 = tpu.memref_slice %arg6[%dma_wait3A_87, %dma_wait3A_99, %dma_wait3A_100] : memref<8x128x64xf32, #tpu.memory_space<vmem>> -> memref<1x128x64xf32, #tpu.memory_space<vmem>>
    %dma_wait3A_102 = tpu.memref_squeeze %dma_wait3A_101 : memref<1x128x64xf32, #tpu.memory_space<vmem>> -> memref<128x64xf32, #tpu.memory_space<vmem>>
    tpu.wait_dma2 semaphore(%dma_wait3A_96 : memref<!tpu.dma_semaphore, #tpu.memory_space<semaphore_mem>>) src(%dma_wait3A_102 : memref<128x64xf32, #tpu.memory_space<vmem>>) dst(%dma_wait3A_98 : memref<128x64xf32, #tpu.memory_space<hbm>>)
    %dma_wait3A_103 = arith.constant 6 : i32
    %dma_wait3A_104 = arith.constant 6 : i32
    %dma_wait3A_105 = arith.constant 0 : i32
    %dma_wait3A_106 = arith.constant 0 : i32
    %dma_wait3A_107 = tpu.memref_slice %arg6[%dma_wait3A_103, %dma_wait3A_105, %dma_wait3A_106] : memref<8x128x64xf32, #tpu.memory_space<vmem>> -> memref<1x128x64xf32, #tpu.memory_space<vmem>>
    %dma_wait3A_108 = tpu.memref_squeeze %dma_wait3A_107 : memref<1x128x64xf32, #tpu.memory_space<vmem>> -> memref<128x64xf32, #tpu.memory_space<vmem>>
    %dma_wait3A_109 = arith.constant 0 : i32
    %dma_wait3A_110 = tpu.memref_slice %arg4[%mul3A_2, %dma_wait3A_109] : memref<327680x64xf32, #tpu.memory_space<hbm>> -> memref<128x64xf32, #tpu.memory_space<hbm>>
    %dma_wait3A_111 = tpu.memref_slice %arg8[%dma_wait3A_104] : memref<8x!tpu.dma_semaphore, #tpu.memory_space<semaphore_mem>> -> memref<1x!tpu.dma_semaphore, #tpu.memory_space<semaphore_mem>>
    %dma_wait3A_112 = tpu.memref_squeeze %dma_wait3A_111 : memref<1x!tpu.dma_semaphore, #tpu.memory_space<semaphore_mem>> -> memref<!tpu.dma_semaphore, #tpu.memory_space<semaphore_mem>>
    %dma_wait3A_113 = arith.constant 0 : i32
    %dma_wait3A_114 = tpu.memref_slice %arg4[%mul3A_2, %dma_wait3A_113] : memref<327680x64xf32, #tpu.memory_space<hbm>> -> memref<128x64xf32, #tpu.memory_space<hbm>>
    %dma_wait3A_115 = arith.constant 0 : i32
    %dma_wait3A_116 = arith.constant 0 : i32
    %dma_wait3A_117 = tpu.memref_slice %arg6[%dma_wait3A_103, %dma_wait3A_115, %dma_wait3A_116] : memref<8x128x64xf32, #tpu.memory_space<vmem>> -> memref<1x128x64xf32, #tpu.memory_space<vmem>>
    %dma_wait3A_118 = tpu.memref_squeeze %dma_wait3A_117 : memref<1x128x64xf32, #tpu.memory_space<vmem>> -> memref<128x64xf32, #tpu.memory_space<vmem>>
    tpu.wait_dma2 semaphore(%dma_wait3A_112 : memref<!tpu.dma_semaphore, #tpu.memory_space<semaphore_mem>>) src(%dma_wait3A_118 : memref<128x64xf32, #tpu.memory_space<vmem>>) dst(%dma_wait3A_114 : memref<128x64xf32, #tpu.memory_space<hbm>>)
    %dma_wait3A_119 = arith.constant 7 : i32
    %dma_wait3A_120 = arith.constant 7 : i32
    %dma_wait3A_121 = arith.constant 0 : i32
    %dma_wait3A_122 = arith.constant 0 : i32
    %dma_wait3A_123 = tpu.memref_slice %arg6[%dma_wait3A_119, %dma_wait3A_121, %dma_wait3A_122] : memref<8x128x64xf32, #tpu.memory_space<vmem>> -> memref<1x128x64xf32, #tpu.memory_space<vmem>>
    %dma_wait3A_124 = tpu.memref_squeeze %dma_wait3A_123 : memref<1x128x64xf32, #tpu.memory_space<vmem>> -> memref<128x64xf32, #tpu.memory_space<vmem>>
    %dma_wait3A_125 = arith.constant 0 : i32
    %dma_wait3A_126 = tpu.memref_slice %arg4[%mul3A_2, %dma_wait3A_125] : memref<327680x64xf32, #tpu.memory_space<hbm>> -> memref<128x64xf32, #tpu.memory_space<hbm>>
    %dma_wait3A_127 = tpu.memref_slice %arg8[%dma_wait3A_120] : memref<8x!tpu.dma_semaphore, #tpu.memory_space<semaphore_mem>> -> memref<1x!tpu.dma_semaphore, #tpu.memory_space<semaphore_mem>>
    %dma_wait3A_128 = tpu.memref_squeeze %dma_wait3A_127 : memref<1x!tpu.dma_semaphore, #tpu.memory_space<semaphore_mem>> -> memref<!tpu.dma_semaphore, #tpu.memory_space<semaphore_mem>>
    %dma_wait3A_129 = arith.constant 0 : i32
    %dma_wait3A_130 = tpu.memref_slice %arg4[%mul3A_2, %dma_wait3A_129] : memref<327680x64xf32, #tpu.memory_space<hbm>> -> memref<128x64xf32, #tpu.memory_space<hbm>>
    %dma_wait3A_131 = arith.constant 0 : i32
    %dma_wait3A_132 = arith.constant 0 : i32
    %dma_wait3A_133 = tpu.memref_slice %arg6[%dma_wait3A_119, %dma_wait3A_131, %dma_wait3A_132] : memref<8x128x64xf32, #tpu.memory_space<vmem>> -> memref<1x128x64xf32, #tpu.memory_space<vmem>>
    %dma_wait3A_134 = tpu.memref_squeeze %dma_wait3A_133 : memref<1x128x64xf32, #tpu.memory_space<vmem>> -> memref<128x64xf32, #tpu.memory_space<vmem>>
    tpu.wait_dma2 semaphore(%dma_wait3A_128 : memref<!tpu.dma_semaphore, #tpu.memory_space<semaphore_mem>>) src(%dma_wait3A_134 : memref<128x64xf32, #tpu.memory_space<vmem>>) dst(%dma_wait3A_130 : memref<128x64xf32, #tpu.memory_space<hbm>>)
    return
  }
}

</mosaic_0001>

<sc_bundles>
// kernel: kernel.3.cloned.1.call-start
scs
__scs_entry_jumppad:
0x0: {  	(pc) =	sbr.rel $0x88, $3  }
0x1: {  	(tag) =	ssettag $0x0;
	lr =	simm.s32 $0x1  }
0x2: {  	[smem:$0x3F9F] =	sst lr;
	_ =	strace $0xD0000000  }
0x3: {  	_ = 	snop  }
0x4: {  	_ = 	snop  }
0x5: {  	_ = 	snop  }
0x6: {  	_ = 	snop  }
0x7: {  	_ = 	snop  }
__scs_overlays_trampoline_lowered:
0x8: {  	[smem:$0x3FAE] =	sst s0  }
0x9: {  	[smem:$0x3FAF] =	sst s1  }
0xa: {  	[smem:$0x3FB0] =	sst s2  }
0xb: {  	[smem:$0x3FB1] =	sst s3  }
0xc: {  	[smem:$0x3FB2] =	sst s4  }
0xd: {  	[smem:$0x3FB3] =	sst s5  }
0xe: {  	[smem:$0x3FB4] =	sst s6  }
0xf: {  	[smem:$0x3FB5] =	sst s7  }
0x10: {  	[smem:$0x3FB6] =	sst s8  }
0x11: {  	[smem:$0x3FB7] =	sst s9;
	s0 =	simm.s32 @!p0 $0x0  }
0x12: {  	s1 =	sld [smem:$0x3F9D];
	s0 =	simm.s32 @p0 $0x1  }
0x13: {  	[smem:$0x3FB8] =	sst s0;
	s0 =	simm.s32 @!p1 $0x0  }
0x14: {  	s2 =	sld [smem:$0x3F9C];
	s0 =	simm.s32 @p1 $0x1  }
0x15: {  	[smem:$0x3FB9] =	sst s0;
	s0 =	simm.s32 @!p2 $0x0  }
0x16: {  	s3 =	sld [smem:$0x3FDB];
	s0 =	simm.s32 @p2 $0x1  }
0x17: {  	s4 =	simm.s32 $0x1BF5;
	[smem:$0x3FBB] =	sst s0  }
0x18: {  	s0 =	sld [smem:$0x3F9E];
	_ =	swait.ge [sflag:s4], $0x0  }
0x19: {  	s7 =	sld [smem:$0x3F9F]  }
0x1a: {  	s8 =	sadd.s32 $0xFFFFE003, lr  }
0x1b: {  	s9 =	sadd.s32 $0xFFFFFEF7, lr;
	s5 =	simm.s32 $0xFFFFFFFF;
	p2 =	slt.u32 s8, $0xFFFFF086  }
0x1c: {  	p1 =	slt.u32 s9, $0xF7A;
	s5 =	simm.s32 @!p2 $0x0  }
0x1d: {  	s5 =	simm.s32 @p1 $0x1;
	p0 =	seq.s32 s7, s2  }
0x1e: {  	s7 =	smul.u32 @!p0 $0xF7A, s2;
	p2 =	seq.s32 @!p0 s5, $0x0  }
0x1f: {  	s9 =	smul.u32 $0xF7A, s1;
	s8 =	simm.s32 @!p0 $0x1BF5;
	p2 =	por !p2, p0  }
0x20: {  	[sflag:s8] =	ssyncset.s32 @!p0 $0xFFFFF086;
	s6 =	sadd.s32 @!p0 s3, s7;
	s7 =	simm.s32 @!p0 $0x108  }
0x21: {  	s3 =	sadd.s32 s3, s9;
	s6 =	sadd.s32 @!p0 $0x88, s6;
	s7 =	simm.s32 @p2 $0x1082  }
0x22: {  	[simem:s7], [sflag:s8] =	dma.local @!p0 [hbm:s6], $0xF7A  }
0x23: {  	s9 =	sor.u32 $0xD0000000, s2;
	s6 =	simm.s32 $0x108;
	_ =	swait.ge @!p0 [sflag:s8], $0x0  }
0x24: {  	s3 =	sadd.s32 $0x88, s3;
	s6 =	simm.s32 @!p1 $0x1082;
	[sflag:s4] =	ssyncset.s32 $0xFFFFF086  }
0x25: {  	[simem:s6], [sflag:s4] =	dma.local [hbm:s3], $0xF7A  }
0x26: {  	[smem:$0x3F9F] =	sst s1;
	(tag) =	ssettag s2;
	_ =	strace s9  }
0x27: {  	s1 =	sld [smem:$0x3FAF]  }
0x28: {  	s2 =	sld [smem:$0x3FB0]  }
0x29: {  	s4 =	sld [smem:$0x3FB2]  }
0x2a: {  	p0 =	seq.s32 s5, $0x0;
	s5 =	sld [smem:$0x3FB3]  }
0x2b: {  	s6 =	sld [smem:$0x3FB4]  }
0x2c: {  	s7 =	sld [smem:$0x3FB5]  }
0x2d: {  	s3 =	simm.s32 $0x108;
	s8 =	sld [smem:$0x3FB6]  }
0x2e: {  	s3 =	simm.s32 @!p0 $0x1082;
	s9 =	sld [smem:$0x3FB7]  }
0x2f: {  	lr =	sadd.s32 s0, s3;
	s0 =	sld [smem:$0x3FAE]  }
0x30: {  	s3 =	sld [smem:$0x3FB1]  }
0x31: {  	[smem:$0x3FBA] =	sst s10  }
0x32: {  	s10 =	sld [smem:$0x3FB8];
	_ =	sdelay $0x3  }
0x33: {  	p0 =	seq.s32 s10, $0x1;
	s10 =	sld [smem:$0x3FBA];
	_ =	sdelay $0x3  }
0x34: {  	[smem:$0x3FBA] =	sst s10  }
0x35: {  	s10 =	sld [smem:$0x3FB9];
	_ =	sdelay $0x3  }
0x36: {  	p1 =	seq.s32 s10, $0x1;
	s10 =	sld [smem:$0x3FBA];
	_ =	sdelay $0x3  }
0x37: {  	[smem:$0x3FBA] =	sst s10  }
0x38: {  	s10 =	sld [smem:$0x3FBB]  }
0x39: {  	_ = 	snop;
	(pc) =	sbr.ind lr, $3  }
0x3a: {  	_ = 	snop  }
0x3b: {  	_ = 	snop  }
0x3c: {  	p2 =	seq.s32 s10, $0x1;
	s10 =	sld [smem:$0x3FBA]  }
0x3d: {  	_ =	shalt  }
0x3e: {  	_ =	shalt  }
0x3f: {  	_ =	shalt  }
0x40: {  	_ =	shalt  }
0x41: {  	_ =	shalt  }
0x42: {  	_ =	shalt  }
0x43: {  	_ =	shalt  }
0x44: {  	_ =	shalt  }
0x45: {  	_ =	shalt  }
0x46: {  	_ =	shalt  }
0x47: {  	_ =	shalt  }
0x48: {  	_ =	shalt  }
0x49: {  	_ =	shalt  }
0x4a: {  	_ =	shalt  }
0x4b: {  	_ =	shalt  }
0x4c: {  	_ =	shalt  }
0x4d: {  	_ =	shalt  }
0x4e: {  	_ =	shalt  }
0x4f: {  	_ =	shalt  }
0x50: {  	_ =	shalt  }
0x51: {  	_ =	shalt  }
0x52: {  	_ =	shalt  }
0x53: {  	_ =	shalt  }
0x54: {  	_ =	shalt  }
0x55: {  	_ =	shalt  }
0x56: {  	_ =	shalt  }
0x57: {  	_ =	shalt  }
0x58: {  	_ =	shalt  }
0x59: {  	_ =	shalt  }
0x5a: {  	_ =	shalt  }
0x5b: {  	_ =	shalt  }
0x5c: {  	_ =	shalt  }
0x5d: {  	_ =	shalt  }
0x5e: {  	_ =	shalt  }
0x5f: {  	_ =	shalt  }
0x60: {  	_ =	shalt  }
0x61: {  	_ =	shalt  }
0x62: {  	_ =	shalt  }
0x63: {  	_ =	shalt  }
0x64: {  	_ =	shalt  }
0x65: {  	_ =	shalt  }
0x66: {  	_ =	shalt  }
0x67: {  	_ =	shalt  }
0x68: {  	_ =	shalt  }
0x69: {  	_ =	shalt  }
0x6a: {  	_ =	shalt  }
0x6b: {  	_ =	shalt  }
0x6c: {  	_ =	shalt  }
0x6d: {  	_ =	shalt  }
0x6e: {  	_ =	shalt  }
0x6f: {  	_ =	shalt  }
0x70: {  	_ =	shalt  }
0x71: {  	_ =	shalt  }
0x72: {  	_ =	shalt  }
0x73: {  	_ =	shalt  }
0x74: {  	_ =	shalt  }
0x75: {  	_ =	shalt  }
0x76: {  	_ =	shalt  }
0x77: {  	_ =	shalt  }
0x78: {  	_ =	shalt  }
0x79: {  	_ =	shalt  }
0x7a: {  	_ =	shalt  }
0x7b: {  	_ =	shalt  }
0x7c: {  	_ =	shalt  }
0x7d: {  	_ =	shalt  }
0x7e: {  	_ =	shalt  }
0x7f: {  	_ =	shalt  }
0x80: {  	_ =	shalt  }
0x81: {  	_ =	shalt  }
0x82: {  	_ =	shalt  }
0x83: {  	_ =	shalt  }
0x84: {  	_ =	shalt  }
0x85: {  	_ =	shalt  }
0x86: {  	_ =	shalt  }
0x87: {  	_ =	shalt  }
.Lfunc_end0:
.L_simem_size_0:
called_computation.1_lowered:
.L_overlay_start_0:
0x88: {  	s2 =	sld [smem:$0x3FD9]  }
0x89: {  	s3 =	sld [smem:$0x3FFE];
	_ =	sdelay $0x1  }
0x8a: {  	s1 =	srdreg.scid  }
0x8b: {  	s0 =	sand.u32 $0x1, s1  }
0x8c: {  	s17 =	sshll.u32 s0, $0xA;
	s2 =	sadd.s32 s3, s2  }
0x8d: {  	s2 =	sadd.s32 s2, s17  }
0x8e: {  	[smem:$0x3FC6] =	sst s2  }
0x8f: {  	_ = 	snop  }
0x90: {  	s2 =	sld [smem:$0x3FD0];
	(tm) =	ssettm $0x1  }
0x91: {  	s18 =	sld [smem:$0x3FFB];
	_ =	sdelay $0x3  }
0x92: {  	_ =	strace s18  }
0x93: {  	s3 =	sld [smem:$0x3FFC];
	_ =	sdelay $0x3  }
0x94: {  	_ =	strace s3  }
0x95: {  	s3 =	sld [smem:$0x3FFD];
	_ =	sdelay $0x3  }
0x96: {  	_ =	strace s3  }
0x97: {  	_ =	strace $0x8FFFFFFF  }
0x98: {  	s19 =	sld [smem:$0x3FDB];
	_ =	sdelay $0x1  }
0x99: {  	s4 =	simm.s32 $_scs_section_size  }
0x9a: {  	s5 =	simm.s32 $_size__tile_overlayer_lowered;
	s6 =	simm.s32 $_tile_overlayer_lowered  }
0x9b: {  	s22 =	simm.s32 $0x1BFF;
	s21 =	sshll.u32 s6, $0x1;
	s3 =	sadd.s32 s4, s19  }
0x9c: {  	s7 =	simm.s32 $0x0;
	s20 =	sshll.u32 s5, $0x1;
	s5 =	sadd.s32 s21, s3  }
0x9d: {  	[timem:s7], [sflag:s22] =	dma.local [hbm:s5], s20  }
0x9e: {  	_ =	swait.ge [sflag:s22], s20  }
0x9f: {  	s4 =	ssub.s32 $0x0, s20;
	[sflag:s22] =	ssyncset.done $0x0  }
0xa0: {  	[sflag:s22] =	ssyncadd.s32 s4;
	_ =	sdelay $0x1  }
0xa1: {  	s23 =	simm.s32 $0x1B8B  }
0xa2: {  	_ =	swait.ge [sflag:s23], $0x1  }
0xa3: {  	[sflag:s23] =	ssyncset.done $0x0  }
0xa4: {  	s25 =	simm.s32 $0x1B8E;
	s24 =	sld [smem:$0x3FFE];
	[sflag:s23] =	ssyncadd.s32 $0xFFFFFFFF  }
0xa5: {  	s26 =	simm.s32 $execute0_lowered;
	[smem:$0x3FD2] =	sst s25  }
0xa6: {  	s5 =	sshll.u32 s26, $0x1;
	_ =	strace $0x80000046;
	[dreg:$0x1] =	wrdreg $0xFFFFFFFF  }
0xa7: {  	s28 =	simm.s32 $_size_execute0_lowered;
	s3 =	sadd.s32 s3, s5;
	[dreg:$0x0] =	wrdreg $0x0  }
0xa8: {  	s5 =	sshll.u32 s28, $0x1;
	[dreg:$0x2] =	wrdreg s3  }
0xa9: {  	[dreg:$0x3] =	wrdreg s5  }
0xaa: {  	[dreg:$0x4] =	wrdreg $0xC0  }
0xab: {  	_ =	task [dreg:s7], $0x5FFFF  }
0xac: {  	[dreg:$0x1] =	wrdreg $0xFFFFFFFF  }
0xad: {  	[dreg:$0x0] =	wrdreg $0x60  }
0xae: {  	[dreg:$0x2] =	wrdreg s24  }
0xaf: {  	[dreg:$0x3] =	wrdreg s2  }
0xb0: {  	[dreg:$0x4] =	wrdreg $0x9  }
0xb1: {  	_ =	task.clear_ibuf [dreg:s7], $0x5FFFF;
	_ =	strace $0x90000046  }
0xb2: {  	s29 =	simm.s32 $0x9;
	_ =	strace $0x80000048  }
0xb3: {  	_ =	swait.ge [sflag:s29], $0x1  }
0xb4: {  	[sflag:s29] =	ssyncadd.s32 $0xFFFFFFFF  }
0xb5: {  	_ =	strace $0x90000048  }
0xb6: {  	_ =	sfence  }
0xb7: {  	s30 =	sld [smem:$0x0];
	_ =	sdelay $0x2  }
0xb8: {  	s31 =	sshll.u32 s1, $0xD;
	s1 =	sshrl.u32 s1, $0x2  }
0xb9: {  	s3 =	sand.u32 $0x4000, s31;
	s1 =	sadd.s32 s1, s30  }
0xba: {  	s0 =	sor.u32 s3, s0;
	s1 =	sshll.u32 s1, $0x11  }
0xbb: {  	s0 =	sor.u32 s1, s0  }
0xbc: {  	s0 =	sadd.s32 $0x8F2B, s0  }
0xbd: {  	[sflag:s0] =	ssyncadd.remote.s32 $0x1  }
0xbe: {  	_ =	sfence.sel $0xFFFF  }
0xbf: {  	[dreg:$0x0] =	wrdreg $0xFFFFFFFF;
	(pc) =	sbr.abs _section_cstart, $3  }
0xc0: {  	[dreg:$0x1] =	wrdreg $0xFFFFFFFF  }
0xc1: {  	_ =	task.clear_ibuf [dreg:s7], $0x2FFFF;
	_ =	strace $0x9FFFFFFF  }
0xc2: {  	(tm) =	ssettm $0x7FFFFFFF  }
0xc3: {  	_ =	shalt  }
tec
execute0_lowered:
.L_overlay_start_1:
0x0: {  	(tag) =	ssettag $0x1  }
0x1: {  	s0 =	srdreg.scid  }
0x2: {  	s7 =	stileid.u32;
	s5 =	rddreg [dreg:$0x0]  }
0x3: {  	s2 =	rddreg [dreg:$0x1];
	s4 =	simm.s32 $0x0;
	s22 =	simm.s32 $0x80  }
0x4: {  	s11 =	simm.s32 $0x10800;
	s23 =	simm.s32 $0x2800;
	s12 =	simm.s32 $0x1  }
0x5: {  	s24 =	simm.s32 $0x4800;
	s13 =	simm.s32 $0x2;
	s25 =	simm.s32 $0x6800  }
0x6: {  	s14 =	simm.s32 $0x3;
	s26 =	simm.s32 $0x8800;
	s15 =	simm.s32 $0x4  }
0x7: {  	s28 =	simm.s32 $0xA800;
	s16 =	simm.s32 $0x5;
	[smem:$0x7FF] =	sst s4  }
0x8: {  	s30 =	simm.s32 $0xC800;
	_ =	strace $0x80000047;
	[dreg:$0x3] =	wrdreg s22  }
0x9: {  	s17 =	simm.s32 $0x6;
	s31 =	simm.s32 $0xE800;
	[dreg:$0x4] =	wrdreg s23  }
0xa: {  	s0 =	sand.u32 $0x1, s0;
	s19 =	smul.u32 $0x140000, s7;
	[dreg:$0x5] =	wrdreg s24  }
0xb: {  	s1 =	sshll.u32 s7, $0x1;
	s7 =	smul.u32 $0x5000, s7;
	[dreg:$0x6] =	wrdreg s25  }
0xc: {  	s1 =	sor.u32 s0, s1;
	s6 =	smul.u32 $0xA0000, s0;
	[dreg:$0x7] =	wrdreg s26  }
0xd: {  	s9 =	ssub.s32 $0x2, s0;
	s0 =	smul.u32 $0x2800, s0;
	[dreg:$0x8] =	wrdreg s28  }
0xe: {  	[dreg:$0x9] =	wrdreg s30;
	s3 =	smul.u32 $0x2800, s1;
	s10 =	sshrl.u32 s9, $0x1  }
0xf: {  	s18 =	simm.s32 $0x7;
	[dreg:$0xa] =	wrdreg s31;
	s9 =	ssub.s32 s9, s10  }
0x10: {  	s1 =	sadd.s32 s6, s19;
	s0 =	sadd.s32 s0, s7;
	s8 =	sshrl.u32 s3, $0x3  }
0x11: {  	s1 =	sshrl.u32 s1, $0x3;
	s0 =	sshll.u32 s0, $0x3;
	s21 =	smax.u32 s9, $0x1  }
0x12: {  	s8 =	sadd.s32 s8, s5;
	[dreg:$0xc] =	wrdreg s21;
	s1 =	sadd.s32 s1, s2  }
0x13: {  	s0 =	sadd.s32 s0, s2;
	s20 =	sadd.s32 $0xA00, s8;
	[dreg:$0xd] =	wrdreg s1  }
0x14: {  	s29 =	simm.s32 $0x0;
	s0 =	sadd.s32 $0x1C00, s0;
	[dreg:$0xb] =	wrdreg s20  }
0x15: {  	s19 =	simm.s32 $0x8;
	s5 =	sadd.s32 $0xF42E00, s5;
	[dreg:$0xe] =	wrdreg s0  }
.LBB2_1:
0x16: {  	s0 =	rddreg [dreg:$0xb];
	s24 =	simm.s32 $0x11  }
0x17: {  	[tilespmem:s4], [sflag:$0x11] =	stream.linear.gather [hbm4b:s0+s4], $0x2800, $0x38;
	[tilespmem:$0x12800] =	vst v63  }
0x18: {  	_ =	swait.ge [sflag:s24], $0x2800  }
0x19: {  	p0 =	por $0x0, $0x0;
	[sflag:s24] =	ssyncset.done $0x0  }
0x1a: {  	s0 =	simm.s32 @p0 $0x9;
	[sflag:s24] =	ssyncadd.s32 $0xFFFFD800  }
0x1b: {  	_ =	swait.ge @p0 [sflag:s0], $0x2000  }
0x1c: {  	s1 =	simm.s32 @p0 $0x0;
	s6 =	simm.s32 @p0 $0x80;
	[sflag:s0] =	ssyncset.done @p0 $0x0  }
0x1d: {  	s9 =	simm.s32 @p0 $0xA;
	[sflag:s0] =	ssyncadd.s32 @p0 $0xFFFFE000;
	s0 =	simm.s32 @p0 $0x2800  }
0x1e: {  	[tilespmem:s0], [sflag:$0x1] =	stream.indirect.gather @p0 [hbm4b:s5+s6], $0x40, s1, s6, $0xb8;
	[tilespmem:$0x12800] =	vst v63  }
0x1f: {  	_ =	swait.ge @p0 [sflag:s9], $0x2000  }
0x20: {  	s10 =	simm.s32 @p0 $0xB;
	[sflag:s9] =	ssyncset.done @p0 $0x0  }
0x21: {  	s0 =	simm.s32 @p0 $0x80;
	s1 =	simm.s32 @p0 $0x4800;
	[sflag:s9] =	ssyncadd.s32 @p0 $0xFFFFE000  }
0x22: {  	[tilespmem:s1], [sflag:$0x2] =	stream.indirect.gather @p0 [hbm4b:s5+s6], $0x40, s0, s6, $0xb8;
	[tilespmem:$0x12800] =	vst v63  }
0x23: {  	_ =	swait.ge @p0 [sflag:s10], $0x2000  }
0x24: {  	s9 =	simm.s32 @p0 $0xC;
	[sflag:s10] =	ssyncset.done @p0 $0x0  }
0x25: {  	s0 =	simm.s32 @p0 $0x100;
	s1 =	simm.s32 @p0 $0x6800;
	[sflag:s10] =	ssyncadd.s32 @p0 $0xFFFFE000  }
0x26: {  	[tilespmem:s1], [sflag:$0x3] =	stream.indirect.gather @p0 [hbm4b:s5+s6], $0x40, s0, s6, $0xb8;
	[tilespmem:$0x12800] =	vst v63  }
0x27: {  	_ =	swait.ge @p0 [sflag:s9], $0x2000  }
0x28: {  	s0 =	simm.s32 @p0 $0x8800;
	[sflag:s9] =	ssyncset.done @p0 $0x0  }
0x29: {  	s1 =	simm.s32 @p0 $0xD;
	[sflag:s9] =	ssyncadd.s32 @p0 $0xFFFFE000;
	s9 =	simm.s32 @p0 $0x180  }
0x2a: {  	[tilespmem:s0], [sflag:$0x4] =	stream.indirect.gather @p0 [hbm4b:s5+s6], $0x40, s9, s6, $0xb8;
	[tilespmem:$0x12800] =	vst v63  }
0x2b: {  	_ =	swait.ge @p0 [sflag:s1], $0x2000  }
0x2c: {  	s0 =	simm.s32 @p0 $0xA800;
	[sflag:s1] =	ssyncset.done @p0 $0x0  }
0x2d: {  	s9 =	simm.s32 @p0 $0xE;
	[sflag:s1] =	ssyncadd.s32 @p0 $0xFFFFE000;
	s1 =	simm.s32 @p0 $0x200  }
0x2e: {  	[tilespmem:s0], [sflag:$0x5] =	stream.indirect.gather @p0 [hbm4b:s5+s6], $0x40, s1, s6, $0xb8;
	[tilespmem:$0x12800] =	vst v63  }
0x2f: {  	_ =	swait.ge @p0 [sflag:s9], $0x2000  }
0x30: {  	s10 =	simm.s32 @p0 $0xF;
	[sflag:s9] =	ssyncset.done @p0 $0x0  }
0x31: {  	s0 =	simm.s32 @p0 $0x280;
	s1 =	simm.s32 @p0 $0xC800;
	[sflag:s9] =	ssyncadd.s32 @p0 $0xFFFFE000  }
0x32: {  	[tilespmem:s1], [sflag:$0x6] =	stream.indirect.gather @p0 [hbm4b:s5+s6], $0x40, s0, s6, $0xb8;
	[tilespmem:$0x12800] =	vst v63  }
0x33: {  	_ =	swait.ge @p0 [sflag:s10], $0x2000  }
0x34: {  	s9 =	simm.s32 @p0 $0x10;
	[sflag:s10] =	ssyncset.done @p0 $0x0  }
0x35: {  	s0 =	simm.s32 @p0 $0x300;
	s1 =	simm.s32 @p0 $0xE800;
	[sflag:s10] =	ssyncadd.s32 @p0 $0xFFFFE000  }
0x36: {  	[tilespmem:s1], [sflag:$0x7] =	stream.indirect.gather @p0 [hbm4b:s5+s6], $0x40, s0, s6, $0xb8;
	[tilespmem:$0x12800] =	vst v63  }
0x37: {  	_ =	swait.ge @p0 [sflag:s9], $0x2000  }
0x38: {  	s0 =	simm.s32 @!p0 $0x80;
	[sflag:s9] =	ssyncset.done @p0 $0x0  }
0x39: {  	s1 =	simm.s32 @!p0 $0x0;
	s6 =	simm.s32 @!p0 $0x2800;
	[sflag:s9] =	ssyncadd.s32 @p0 $0xFFFFE000  }
0x3a: {  	[tilespmem:s6], [sflag:$0x1] =	stream.indirect.gather @!p0 [hbm4b:s5+s0], $0x40, s1, s0, $0xb8;
	[tilespmem:$0x12800] =	vst v63  }
0x3b: {  	s1 =	simm.s32 @!p0 $0x4800  }
0x3c: {  	[tilespmem:s1], [sflag:$0x2] =	stream.indirect.gather @!p0 [hbm4b:s5+s0], $0x40, s0, s0, $0xb8;
	[tilespmem:$0x12800] =	vst v63  }
0x3d: {  	s6 =	simm.s32 @!p0 $0x6800;
	s1 =	simm.s32 @!p0 $0x100  }
0x3e: {  	[tilespmem:s6], [sflag:$0x3] =	stream.indirect.gather @!p0 [hbm4b:s5+s0], $0x40, s1, s0, $0xb8;
	[tilespmem:$0x12800] =	vst v63  }
0x3f: {  	s1 =	simm.s32 @!p0 $0x180;
	s6 =	simm.s32 @!p0 $0x8800  }
0x40: {  	[tilespmem:s6], [sflag:$0x4] =	stream.indirect.gather @!p0 [hbm4b:s5+s0], $0x40, s1, s0, $0xb8;
	[tilespmem:$0x12800] =	vst v63  }
0x41: {  	s1 =	simm.s32 @!p0 $0x200;
	s6 =	simm.s32 @!p0 $0xA800  }
0x42: {  	[tilespmem:s6], [sflag:$0x5] =	stream.indirect.gather @!p0 [hbm4b:s5+s0], $0x40, s1, s0, $0xb8;
	[tilespmem:$0x12800] =	vst v63  }
0x43: {  	s1 =	simm.s32 @!p0 $0x280;
	s6 =	simm.s32 @!p0 $0xC800  }
0x44: {  	[tilespmem:s6], [sflag:$0x6] =	stream.indirect.gather @!p0 [hbm4b:s5+s0], $0x40, s1, s0, $0xb8;
	[tilespmem:$0x12800] =	vst v63  }
0x45: {  	s1 =	simm.s32 @!p0 $0x300;
	s6 =	simm.s32 @!p0 $0xE800  }
0x46: {  	[tilespmem:s6], [sflag:$0x7] =	stream.indirect.gather @!p0 [hbm4b:s5+s0], $0x40, s1, s0, $0xb8;
	[tilespmem:$0x12800] =	vst v63  }
0x47: {  	s1 =	simm.s32 @p0 $0x80  }
0x48: {  	s26 =	simm.s32 $0x380;
	s25 =	rddreg [dreg:$0x3];
	s1 =	simm.s32 @!p0 $0x80  }
0x49: {  	[tilespmem:s11], [sflag:$0x8] =	stream.indirect.gather [hbm4b:s5+s25], $0x40, s26, s25, $0xb8;
	[tilespmem:$0x12800] =	vst v63  }
0x4a: {  	s6 =	sadd.s32 s3, s1  }
0x4b: {  	s31 =	simm.s32 $0x700;
	_ =	swait.ge [sflag:s12], $0x2000;
	s0 =	sshll.u32 s6, $0x3  }
0x4c: {  	s6 =	simm.s32 @p0 $0x100;
	s28 =	rddreg [dreg:$0x4];
	[sflag:s12] =	ssyncset.done $0x0  }
0x4d: {  	s7 =	rddreg [dreg:$0xd];
	s0 =	sand.u32 $0x1FFFE400, s0;
	s6 =	simm.s32 @!p0 $0x100  }
0x4e: {  	[sflag:s12] =	ssyncadd.s32 $0xFFFFE000;
	s9 =	sadd.s32 s3, s6;
	s6 =	simm.s32 @p0 $0x180  }
0x4f: {  	[hbm4b:s7+s4] =	stream.linear.scatter [tilespmem:s28], [sflag:$0x9], $0x2000, $0x38;
	[tilespmem:$0x12800] =	vst v63  }
0x50: {  	s0 =	sadd.s32 s2, s0;
	s6 =	simm.s32 @!p0 $0x180;
	_ =	swait.ge [sflag:s13], $0x2000  }
0x51: {  	s1 =	sadd.s32 $0x2000, s7;
	s20 =	sadd.s32 s3, s6;
	[sflag:s13] =	ssyncset.done $0x0  }
0x52: {  	s6 =	simm.s32 @p0 $0x200;
	s8 =	rddreg [dreg:$0x5];
	[sflag:s13] =	ssyncadd.s32 $0xFFFFE000  }
0x53: {  	[hbm4b:s0+s4] =	stream.linear.scatter [tilespmem:s8], [sflag:$0xA], $0x2000, $0x38;
	[tilespmem:$0x12800] =	vst v63  }
0x54: {  	s6 =	simm.s32 @!p0 $0x200;
	s0 =	sshll.u32 s9, $0x3;
	_ =	swait.ge [sflag:s14], $0x2000  }
0x55: {  	s22 =	sadd.s32 s3, s6;
	s0 =	sand.u32 $0x1FFFE800, s0;
	[sflag:s14] =	ssyncset.done $0x0  }
0x56: {  	s10 =	rddreg [dreg:$0x6];
	s0 =	sadd.s32 s2, s0;
	[sflag:s14] =	ssyncadd.s32 $0xFFFFE000  }
0x57: {  	[hbm4b:s0+s4] =	stream.linear.scatter [tilespmem:s10], [sflag:$0xB], $0x2000, $0x38;
	[tilespmem:$0x12800] =	vst v63  }
0x58: {  	s6 =	simm.s32 @p0 $0x280;
	s0 =	sshll.u32 s20, $0x3;
	_ =	swait.ge [sflag:s15], $0x2000  }
0x59: {  	s6 =	simm.s32 @!p0 $0x280;
	s0 =	sand.u32 $0x1FFFEC00, s0;
	[sflag:s15] =	ssyncset.done $0x0  }
0x5a: {  	s21 =	rddreg [dreg:$0x7];
	s0 =	sadd.s32 s2, s0;
	[sflag:s15] =	ssyncadd.s32 $0xFFFFE000  }
0x5b: {  	[hbm4b:s0+s4] =	stream.linear.scatter [tilespmem:s21], [sflag:$0xC], $0x2000, $0x38;
	[tilespmem:$0x12800] =	vst v63  }
0x5c: {  	s24 =	sadd.s32 s3, s6;
	s0 =	sshll.u32 s22, $0x3;
	_ =	swait.ge [sflag:s16], $0x2000  }
0x5d: {  	s6 =	simm.s32 $0x300;
	s0 =	sand.u32 $0x1FFFF000, s0;
	[sflag:s16] =	ssyncset.done $0x0  }
0x5e: {  	s23 =	rddreg [dreg:$0x8];
	s0 =	sadd.s32 s2, s0;
	[sflag:s16] =	ssyncadd.s32 $0xFFFFE000  }
0x5f: {  	[hbm4b:s0+s4] =	stream.linear.scatter [tilespmem:s23], [sflag:$0xD], $0x2000, $0x38;
	[tilespmem:$0x12800] =	vst v63  }
0x60: {  	s6 =	simm.s32 @!p0 $0x300;
	s0 =	sshll.u32 s24, $0x3;
	_ =	swait.ge [sflag:s17], $0x2000  }
0x61: {  	s26 =	sadd.s32 s3, s6;
	s0 =	sand.u32 $0x1FFFF400, s0;
	[sflag:s17] =	ssyncset.done $0x0  }
0x62: {  	s25 =	rddreg [dreg:$0x9];
	s0 =	sadd.s32 s2, s0;
	[sflag:s17] =	ssyncadd.s32 $0xFFFFE000  }
0x63: {  	[hbm4b:s0+s4] =	stream.linear.scatter [tilespmem:s25], [sflag:$0xE], $0x2000, $0x38;
	[tilespmem:$0x12800] =	vst v63  }
0x64: {  	p0 =	por $0x1, $0x1;
	s0 =	sshll.u32 s26, $0x3;
	_ =	swait.ge [sflag:s18], $0x2000  }
0x65: {  	s0 =	sand.u32 $0x1FFFF800, s0;
	s28 =	rddreg [dreg:$0xa];
	[sflag:s18] =	ssyncset.done $0x0  }
0x66: {  	s0 =	sadd.s32 s2, s0;
	s9 =	rddreg [dreg:$0xe];
	[sflag:s18] =	ssyncadd.s32 $0xFFFFE000  }
0x67: {  	[hbm4b:s0+s4] =	stream.linear.scatter [tilespmem:s28], [sflag:$0xF], $0x2000, $0x38;
	[tilespmem:$0x12800] =	vst v63  }
0x68: {  	s6 =	simm.s32 $0x2000;
	s30 =	sadd.s32 $0x2000, s9;
	s0 =	simm.s32 $0x1000  }
.LBB2_2:
0x69: {  	_ =	swait.ge [sflag:s19], $0x2000  }
0x6a: {  	[sflag:s19] =	ssyncset.done $0x0  }
0x6b: {  	s10 =	simm.s32 @p0 $0x9;
	[sflag:s19] =	ssyncadd.s32 $0xFFFFE000  }
0x6c: {  	[hbm4b:s9+s4] =	stream.linear.scatter [tilespmem:s11], [sflag:$0x10], $0x2000, $0x38;
	[tilespmem:$0x12800] =	vst v63  }
0x6d: {  	s21 =	sadd.s32 @p0 $0xFFFFFF80, s31;
	_ =	swait.ge @p0 [sflag:s10], $0x2000  }
0x6e: {  	s23 =	simm.s32 @p0 $0x80;
	s28 =	simm.s32 @p0 $0xA;
	[sflag:s10] =	ssyncset.done @p0 $0x0  }
0x6f: {  	s9 =	sshra.s32 @p0 s0, $0x2;
	[sflag:s10] =	ssyncadd.s32 @p0 $0xFFFFE000;
	s10 =	simm.s32 @p0 $0x2800  }
0x70: {  	[tilespmem:s10], [sflag:$0x1] =	stream.indirect.gather @p0 [hbm4b:s5+s23], $0x40, s9, s23, $0xb8;
	[tilespmem:$0x12800] =	vst v63  }
0x71: {  	s21 =	simm.s32 @!p0 $0x280;
	_ =	swait.ge @p0 [sflag:s28], $0x2000  }
0x72: {  	s8 =	simm.s32 @p0 $0xB;
	s21 =	sadd.s32 s3, s21;
	[sflag:s28] =	ssyncset.done @p0 $0x0  }
0x73: {  	s25 =	sadd.s32 @p0 $0x80, s9;
	s10 =	simm.s32 @p0 $0x4800;
	[sflag:s28] =	ssyncadd.s32 @p0 $0xFFFFE000  }
0x74: {  	[tilespmem:s10], [sflag:$0x2] =	stream.indirect.gather @p0 [hbm4b:s5+s23], $0x40, s25, s23, $0xb8;
	[tilespmem:$0x12800] =	vst v63  }
0x75: {  	s21 =	sshll.u32 s21, $0x3;
	_ =	swait.ge @p0 [sflag:s8], $0x2000  }
0x76: {  	s26 =	sadd.s32 @p0 $0x100, s9;
	s28 =	simm.s32 @p0 $0xC;
	[sflag:s8] =	ssyncset.done @p0 $0x0  }
0x77: {  	s25 =	simm.s32 @p0 $0x6800;
	s10 =	sand.u32 $0x1FFFF400, s21;
	[sflag:s8] =	ssyncadd.s32 @p0 $0xFFFFE000  }
0x78: {  	[tilespmem:s25], [sflag:$0x3] =	stream.indirect.gather @p0 [hbm4b:s5+s23], $0x40, s26, s23, $0xb8;
	[tilespmem:$0x12800] =	vst v63  }
0x79: {  	s21 =	simm.s32 @p0 $0x8800;
	s8 =	smov.u32 s31;
	_ =	swait.ge @p0 [sflag:s28], $0x2000  }
0x7a: {  	s8 =	simm.s32 @!p0 $0x300;
	s25 =	simm.s32 @p0 $0xD;
	[sflag:s28] =	ssyncset.done @p0 $0x0  }
0x7b: {  	s26 =	sadd.s32 @p0 $0x180, s9;
	s8 =	sadd.s32 s3, s8;
	[sflag:s28] =	ssyncadd.s32 @p0 $0xFFFFE000  }
0x7c: {  	[tilespmem:s21], [sflag:$0x4] =	stream.indirect.gather @p0 [hbm4b:s5+s23], $0x40, s26, s23, $0xb8;
	[tilespmem:$0x12800] =	vst v63  }
0x7d: {  	s8 =	sshll.u32 s8, $0x3;
	_ =	swait.ge @p0 [sflag:s25], $0x2000  }
0x7e: {  	s28 =	simm.s32 @p0 $0xE;
	s26 =	simm.s32 @p0 $0xA800;
	[sflag:s25] =	ssyncset.done @p0 $0x0  }
0x7f: {  	s21 =	sand.u32 $0x1FFFF800, s8;
	s8 =	sadd.s32 @p0 $0x200, s9;
	[sflag:s25] =	ssyncadd.s32 @p0 $0xFFFFE000  }
0x80: {  	[tilespmem:s26], [sflag:$0x5] =	stream.indirect.gather @p0 [hbm4b:s5+s23], $0x40, s8, s23, $0xb8;
	[tilespmem:$0x12800] =	vst v63  }
0x81: {  	_ =	swait.ge @p0 [sflag:s28], $0x2000  }
0x82: {  	s7 =	sadd.s32 @p0 $0x280, s9;
	[sflag:s28] =	ssyncset.done @p0 $0x0  }
0x83: {  	s25 =	simm.s32 @p0 $0xF;
	s8 =	simm.s32 @p0 $0xC800;
	[sflag:s28] =	ssyncadd.s32 @p0 $0xFFFFE000  }
0x84: {  	[tilespmem:s8], [sflag:$0x6] =	stream.indirect.gather @p0 [hbm4b:s5+s23], $0x40, s7, s23, $0xb8;
	[tilespmem:$0x12800] =	vst v63  }
0x85: {  	_ =	swait.ge @p0 [sflag:s25], $0x2000  }
0x86: {  	s24 =	sadd.s32 @p0 $0x300, s9;
	[sflag:s25] =	ssyncset.done @p0 $0x0  }
0x87: {  	s7 =	simm.s32 @p0 $0xE800;
	s8 =	simm.s32 @p0 $0x10;
	[sflag:s25] =	ssyncadd.s32 @p0 $0xFFFFE000  }
0x88: {  	[tilespmem:s7], [sflag:$0x7] =	stream.indirect.gather @p0 [hbm4b:s5+s23], $0x40, s24, s23, $0xb8;
	[tilespmem:$0x12800] =	vst v63  }
0x89: {  	_ =	swait.ge @p0 [sflag:s8], $0x2000  }
0x8a: {  	s7 =	simm.s32 @!p0 $0x80;
	[sflag:s8] =	ssyncset.done @p0 $0x0  }
0x8b: {  	s23 =	simm.s32 @!p0 $0x0;
	[sflag:s8] =	ssyncadd.s32 @p0 $0xFFFFE000;
	s8 =	simm.s32 @!p0 $0x2800  }
0x8c: {  	[tilespmem:s8], [sflag:$0x1] =	stream.indirect.gather @!p0 [hbm4b:s5+s7], $0x40, s23, s7, $0xb8;
	[tilespmem:$0x12800] =	vst v63  }
0x8d: {  	s8 =	simm.s32 @!p0 $0x4800  }
0x8e: {  	[tilespmem:s8], [sflag:$0x2] =	stream.indirect.gather @!p0 [hbm4b:s5+s7], $0x40, s7, s7, $0xb8;
	[tilespmem:$0x12800] =	vst v63  }
0x8f: {  	s23 =	simm.s32 @!p0 $0x6800;
	s8 =	simm.s32 @!p0 $0x100  }
0x90: {  	[tilespmem:s23], [sflag:$0x3] =	stream.indirect.gather @!p0 [hbm4b:s5+s7], $0x40, s8, s7, $0xb8;
	[tilespmem:$0x12800] =	vst v63  }
0x91: {  	s8 =	simm.s32 @!p0 $0x180;
	s23 =	simm.s32 @!p0 $0x8800  }
0x92: {  	[tilespmem:s23], [sflag:$0x4] =	stream.indirect.gather @!p0 [hbm4b:s5+s7], $0x40, s8, s7, $0xb8;
	[tilespmem:$0x12800] =	vst v63  }
0x93: {  	s20 =	sadd.s32 @p0 $0xFFFFFF00, s31;
	s8 =	simm.s32 @!p0 $0x200;
	s23 =	simm.s32 @!p0 $0xA800  }
0x94: {  	[tilespmem:s23], [sflag:$0x5] =	stream.indirect.gather @!p0 [hbm4b:s5+s7], $0x40, s8, s7, $0xb8;
	[tilespmem:$0x12800] =	vst v63  }
0x95: {  	s22 =	smov.u32 s6;
	s8 =	simm.s32 @!p0 $0x280;
	s23 =	simm.s32 @!p0 $0xC800  }
0x96: {  	[tilespmem:s23], [sflag:$0x6] =	stream.indirect.gather @!p0 [hbm4b:s5+s7], $0x40, s8, s7, $0xb8;
	[tilespmem:$0x12800] =	vst v63  }
0x97: {  	s26 =	sshra.s32 s0, $0x2;
	s8 =	simm.s32 @!p0 $0x300;
	s23 =	simm.s32 @!p0 $0xE800  }
0x98: {  	[tilespmem:s23], [sflag:$0x7] =	stream.indirect.gather @!p0 [hbm4b:s5+s7], $0x40, s8, s7, $0xb8;
	[tilespmem:$0x12800] =	vst v63  }
0x99: {  	s28 =	rddreg [dreg:$0x3];
	s8 =	sadd.s32 $0x380, s26;
	s7 =	sadd.s32 @p0 $0xFFFFFD80, s31  }
0x9a: {  	[tilespmem:s11], [sflag:$0x8] =	stream.indirect.gather [hbm4b:s5+s28], $0x40, s8, s28, $0xb8;
	[tilespmem:$0x12800] =	vst v63  }
0x9b: {  	s0 =	smov.u32 s22;
	s7 =	simm.s32 @!p0 $0x80;
	_ =	swait.ge [sflag:s12], $0x2000  }
0x9c: {  	s7 =	sadd.s32 s3, s7;
	s8 =	sadd.s32 @p0 $0xFFFFFE00, s31;
	[sflag:s12] =	ssyncset.done $0x0  }
0x9d: {  	s7 =	sshll.u32 s7, $0x3;
	s22 =	rddreg [dreg:$0x4];
	[sflag:s12] =	ssyncadd.s32 $0xFFFFE000  }
0x9e: {  	[hbm4b:s1+s4] =	stream.linear.scatter [tilespmem:s22], [sflag:$0x9], $0x2000, $0x38;
	[tilespmem:$0x12800] =	vst v63  }
0x9f: {  	s8 =	simm.s32 @!p0 $0x100;
	s7 =	sand.u32 $0x1FFFE400, s7;
	_ =	swait.ge [sflag:s13], $0x2000  }
0xa0: {  	s8 =	sadd.s32 s3, s8;
	s7 =	sadd.s32 s2, s7;
	[sflag:s13] =	ssyncset.done $0x0  }
0xa1: {  	s22 =	sadd.s32 @p0 $0xFFFFFE80, s31;
	s23 =	rddreg [dreg:$0x5];
	[sflag:s13] =	ssyncadd.s32 $0xFFFFE000  }
0xa2: {  	[hbm4b:s7+s4] =	stream.linear.scatter [tilespmem:s23], [sflag:$0xA], $0x2000, $0x38;
	[tilespmem:$0x12800] =	vst v63  }
0xa3: {  	s24 =	sshll.u32 s8, $0x3;
	s22 =	simm.s32 @!p0 $0x180;
	_ =	swait.ge [sflag:s14], $0x2000  }
0xa4: {  	s26 =	sadd.s32 s3, s22;
	s7 =	sand.u32 $0x1FFFE800, s24;
	[sflag:s14] =	ssyncset.done $0x0  }
0xa5: {  	s7 =	sadd.s32 s2, s7;
	s25 =	rddreg [dreg:$0x6];
	[sflag:s14] =	ssyncadd.s32 $0xFFFFE000  }
0xa6: {  	[hbm4b:s7+s4] =	stream.linear.scatter [tilespmem:s25], [sflag:$0xB], $0x2000, $0x38;
	[tilespmem:$0x12800] =	vst v63  }
0xa7: {  	s20 =	simm.s32 @!p0 $0x200;
	s7 =	sshll.u32 s26, $0x3;
	_ =	swait.ge [sflag:s15], $0x2000  }
0xa8: {  	s20 =	sadd.s32 s3, s20;
	s7 =	sand.u32 $0x1FFFEC00, s7;
	[sflag:s15] =	ssyncset.done $0x0  }
0xa9: {  	s28 =	rddreg [dreg:$0x7];
	s7 =	sadd.s32 s2, s7;
	[sflag:s15] =	ssyncadd.s32 $0xFFFFE000  }
0xaa: {  	[hbm4b:s7+s4] =	stream.linear.scatter [tilespmem:s28], [sflag:$0xC], $0x2000, $0x38;
	[tilespmem:$0x12800] =	vst v63  }
0xab: {  	s20 =	sshll.u32 s20, $0x3;
	_ =	swait.ge [sflag:s16], $0x2000  }
0xac: {  	s20 =	sand.u32 $0x1FFFF000, s20;
	[sflag:s16] =	ssyncset.done $0x0  }
0xad: {  	s23 =	sadd.s32 s2, s20;
	s22 =	rddreg [dreg:$0x8];
	[sflag:s16] =	ssyncadd.s32 $0xFFFFE000  }
0xae: {  	[hbm4b:s23+s4] =	stream.linear.scatter [tilespmem:s22], [sflag:$0xD], $0x2000, $0x38;
	[tilespmem:$0x12800] =	vst v63  }
0xaf: {  	s6 =	sadd.s32 $0x1000, s6;
	_ =	swait.ge [sflag:s17], $0x2000  }
0xb0: {  	p1 =	sne.s32 s6, $0xA000;
	[sflag:s17] =	ssyncset.done $0x0  }
0xb1: {  	s25 =	sadd.s32 s2, s10;
	s24 =	rddreg [dreg:$0x9];
	[sflag:s17] =	ssyncadd.s32 $0xFFFFE000  }
0xb2: {  	[hbm4b:s25+s4] =	stream.linear.scatter [tilespmem:s24], [sflag:$0xE], $0x2000, $0x38;
	[tilespmem:$0x12800] =	vst v63  }
.Ltmp0:
0xb3: {  	s9 =	smov.u32 s30;
	(pc) =	sbr.rel @p1 .LBB2_2-.Ltmp0, $4  }
0xb4: {  	s30 =	sadd.s32 $0x2000, s30;
	s1 =	sadd.s32 $0x2000, s1;
	_ =	swait.ge [sflag:s18], $0x2000  }
0xb5: {  	s31 =	sadd.s32 $0x400, s31;
	p0 =	sne.s32 s0, $0x0;
	[sflag:s18] =	ssyncset.done $0x0  }
0xb6: {  	s28 =	sadd.s32 s2, s21;
	s26 =	rddreg [dreg:$0xa];
	[sflag:s18] =	ssyncadd.s32 $0xFFFFE000  }
0xb7: {  	[hbm4b:s28+s4] =	stream.linear.scatter [tilespmem:s26], [sflag:$0xF], $0x2000, $0x38;
	[tilespmem:$0x12800] =	vst v63  }
0xb8: {  	_ =	swait.ge [sflag:s19], $0x2000  }
0xb9: {  	[sflag:s19] =	ssyncset.done $0x0  }
0xba: {  	s6 =	simm.s32 @p0 $0x9;
	[sflag:s19] =	ssyncadd.s32 $0xFFFFE000  }
0xbb: {  	[hbm4b:s9+s4] =	stream.linear.scatter [tilespmem:s11], [sflag:$0x10], $0x2000, $0x38;
	[tilespmem:$0x12800] =	vst v63  }
0xbc: {  	_ =	swait.ge @p0 [sflag:s6], $0x2000  }
0xbd: {  	s7 =	sshra.s32 @p0 s0, $0x2;
	s8 =	simm.s32 @p0 $0x80;
	[sflag:s6] =	ssyncset.done @p0 $0x0  }
0xbe: {  	s9 =	simm.s32 @p0 $0xA;
	[sflag:s6] =	ssyncadd.s32 @p0 $0xFFFFE000;
	s6 =	simm.s32 @p0 $0x2800  }
0xbf: {  	[tilespmem:s6], [sflag:$0x1] =	stream.indirect.gather @p0 [hbm4b:s5+s8], $0x40, s7, s8, $0xb8;
	[tilespmem:$0x12800] =	vst v63  }
0xc0: {  	_ =	swait.ge @p0 [sflag:s9], $0x2000  }
0xc1: {  	[sflag:s9] =	ssyncset.done @p0 $0x0  }
0xc2: {  	s6 =	sadd.s32 @p0 $0x80, s7;
	[sflag:s9] =	ssyncadd.s32 @p0 $0xFFFFE000;
	s9 =	simm.s32 @p0 $0x4800  }
0xc3: {  	[tilespmem:s9], [sflag:$0x2] =	stream.indirect.gather @p0 [hbm4b:s5+s8], $0x40, s6, s8, $0xb8;
	[tilespmem:$0x12800] =	vst v63  }
0xc4: {  	s6 =	simm.s32 @p0 $0xB  }
0xc5: {  	_ =	swait.ge @p0 [sflag:s6], $0x2000  }
0xc6: {  	[sflag:s6] =	ssyncset.done @p0 $0x0  }
0xc7: {  	s9 =	sadd.s32 @p0 $0x100, s7;
	[sflag:s6] =	ssyncadd.s32 @p0 $0xFFFFE000;
	s6 =	simm.s32 @p0 $0x6800  }
0xc8: {  	[tilespmem:s6], [sflag:$0x3] =	stream.indirect.gather @p0 [hbm4b:s5+s8], $0x40, s9, s8, $0xb8;
	[tilespmem:$0x12800] =	vst v63  }
0xc9: {  	s6 =	simm.s32 @p0 $0xC  }
0xca: {  	_ =	swait.ge @p0 [sflag:s6], $0x2000  }
0xcb: {  	[sflag:s6] =	ssyncset.done @p0 $0x0  }
0xcc: {  	s9 =	simm.s32 @p0 $0x8800;
	[sflag:s6] =	ssyncadd.s32 @p0 $0xFFFFE000;
	s6 =	sadd.s32 @p0 $0x180, s7  }
0xcd: {  	[tilespmem:s9], [sflag:$0x4] =	stream.indirect.gather @p0 [hbm4b:s5+s8], $0x40, s6, s8, $0xb8;
	[tilespmem:$0x12800] =	vst v63  }
0xce: {  	s6 =	simm.s32 @p0 $0xD  }
0xcf: {  	_ =	swait.ge @p0 [sflag:s6], $0x2000  }
0xd0: {  	[sflag:s6] =	ssyncset.done @p0 $0x0  }
0xd1: {  	s9 =	simm.s32 @p0 $0xA800;
	[sflag:s6] =	ssyncadd.s32 @p0 $0xFFFFE000;
	s6 =	sadd.s32 @p0 $0x200, s7  }
0xd2: {  	[tilespmem:s9], [sflag:$0x5] =	stream.indirect.gather @p0 [hbm4b:s5+s8], $0x40, s6, s8, $0xb8;
	[tilespmem:$0x12800] =	vst v63  }
0xd3: {  	s6 =	simm.s32 @p0 $0xE  }
0xd4: {  	_ =	swait.ge @p0 [sflag:s6], $0x2000  }
0xd5: {  	[sflag:s6] =	ssyncset.done @p0 $0x0  }
0xd6: {  	s9 =	sadd.s32 @p0 $0x280, s7;
	[sflag:s6] =	ssyncadd.s32 @p0 $0xFFFFE000;
	s6 =	simm.s32 @p0 $0xC800  }
0xd7: {  	[tilespmem:s6], [sflag:$0x6] =	stream.indirect.gather @p0 [hbm4b:s5+s8], $0x40, s9, s8, $0xb8;
	[tilespmem:$0x12800] =	vst v63  }
0xd8: {  	s6 =	simm.s32 @p0 $0xF  }
0xd9: {  	_ =	swait.ge @p0 [sflag:s6], $0x2000  }
0xda: {  	[sflag:s6] =	ssyncset.done @p0 $0x0  }
0xdb: {  	s7 =	sadd.s32 @p0 $0x300, s7;
	[sflag:s6] =	ssyncadd.s32 @p0 $0xFFFFE000;
	s6 =	simm.s32 @p0 $0xE800  }
0xdc: {  	[tilespmem:s6], [sflag:$0x7] =	stream.indirect.gather @p0 [hbm4b:s5+s8], $0x40, s7, s8, $0xb8;
	[tilespmem:$0x12800] =	vst v63  }
0xdd: {  	s6 =	simm.s32 @p0 $0x10  }
0xde: {  	_ =	swait.ge @p0 [sflag:s6], $0x2000  }
0xdf: {  	s7 =	simm.s32 @!p0 $0x80;
	[sflag:s6] =	ssyncset.done @p0 $0x0  }
0xe0: {  	s8 =	simm.s32 @!p0 $0x0;
	[sflag:s6] =	ssyncadd.s32 @p0 $0xFFFFE000;
	s6 =	simm.s32 @!p0 $0x2800  }
0xe1: {  	[tilespmem:s6], [sflag:$0x1] =	stream.indirect.gather @!p0 [hbm4b:s5+s7], $0x40, s8, s7, $0xb8;
	[tilespmem:$0x12800] =	vst v63  }
0xe2: {  	s6 =	simm.s32 @!p0 $0x4800  }
0xe3: {  	[tilespmem:s6], [sflag:$0x2] =	stream.indirect.gather @!p0 [hbm4b:s5+s7], $0x40, s7, s7, $0xb8;
	[tilespmem:$0x12800] =	vst v63  }
0xe4: {  	s8 =	simm.s32 @!p0 $0x6800;
	s6 =	simm.s32 @!p0 $0x100  }
0xe5: {  	[tilespmem:s8], [sflag:$0x3] =	stream.indirect.gather @!p0 [hbm4b:s5+s7], $0x40, s6, s7, $0xb8;
	[tilespmem:$0x12800] =	vst v63  }
0xe6: {  	s6 =	simm.s32 @!p0 $0x180;
	s8 =	simm.s32 @!p0 $0x8800  }
0xe7: {  	[tilespmem:s8], [sflag:$0x4] =	stream.indirect.gather @!p0 [hbm4b:s5+s7], $0x40, s6, s7, $0xb8;
	[tilespmem:$0x12800] =	vst v63  }
0xe8: {  	s6 =	simm.s32 @!p0 $0x200;
	s8 =	simm.s32 @!p0 $0xA800  }
0xe9: {  	[tilespmem:s8], [sflag:$0x5] =	stream.indirect.gather @!p0 [hbm4b:s5+s7], $0x40, s6, s7, $0xb8;
	[tilespmem:$0x12800] =	vst v63  }
0xea: {  	s6 =	simm.s32 @!p0 $0x280;
	s8 =	simm.s32 @!p0 $0xC800  }
0xeb: {  	[tilespmem:s8], [sflag:$0x6] =	stream.indirect.gather @!p0 [hbm4b:s5+s7], $0x40, s6, s7, $0xb8;
	[tilespmem:$0x12800] =	vst v63  }
0xec: {  	s25 =	sshra.s32 s0, $0x2;
	s6 =	simm.s32 @!p0 $0x300;
	s8 =	simm.s32 @!p0 $0xE800  }
0xed: {  	[tilespmem:s8], [sflag:$0x7] =	stream.indirect.gather @!p0 [hbm4b:s5+s7], $0x40, s6, s7, $0xb8;
	[tilespmem:$0x12800] =	vst v63  }
0xee: {  	s0 =	sadd.s32 $0x380, s25;
	s24 =	rddreg [dreg:$0x3]  }
0xef: {  	[tilespmem:s11], [sflag:$0x8] =	stream.indirect.gather [hbm4b:s5+s24], $0x40, s0, s24, $0xb8;
	[tilespmem:$0x12800] =	vst v63  }
0xf0: {  	s0 =	sadd.s32 @p0 $0xFFFFFD80, s31;
	_ =	swait.ge [sflag:s12], $0x2000  }
0xf1: {  	s0 =	simm.s32 @!p0 $0x80;
	[sflag:s12] =	ssyncset.done $0x0  }
0xf2: {  	s26 =	rddreg [dreg:$0x4];
	s0 =	sadd.s32 s3, s0;
	[sflag:s12] =	ssyncadd.s32 $0xFFFFE000  }
0xf3: {  	[hbm4b:s1+s4] =	stream.linear.scatter [tilespmem:s26], [sflag:$0x9], $0x2000, $0x38;
	[tilespmem:$0x12800] =	vst v63  }
0xf4: {  	s0 =	sshll.u32 s0, $0x3;
	_ =	swait.ge [sflag:s13], $0x2000  }
0xf5: {  	s0 =	sand.u32 $0x1FFFE400, s0;
	[sflag:s13] =	ssyncset.done $0x0  }
0xf6: {  	s0 =	sadd.s32 s2, s0;
	s28 =	rddreg [dreg:$0x5];
	[sflag:s13] =	ssyncadd.s32 $0xFFFFE000  }
0xf7: {  	[hbm4b:s0+s4] =	stream.linear.scatter [tilespmem:s28], [sflag:$0xA], $0x2000, $0x38;
	[tilespmem:$0x12800] =	vst v63  }
0xf8: {  	s0 =	sadd.s32 @p0 $0xFFFFFE00, s31  }
0xf9: {  	s0 =	simm.s32 @!p0 $0x100  }
0xfa: {  	s0 =	sadd.s32 s3, s0  }
0xfb: {  	_ =	swait.ge [sflag:s14], $0x2000;
	s0 =	sshll.u32 s0, $0x3  }
0xfc: {  	[sflag:s14] =	ssyncset.done $0x0;
	s0 =	sand.u32 $0x1FFFE800, s0  }
0xfd: {  	s6 =	rddreg [dreg:$0x6];
	[sflag:s14] =	ssyncadd.s32 $0xFFFFE000;
	s0 =	sadd.s32 s2, s0  }
0xfe: {  	[hbm4b:s0+s4] =	stream.linear.scatter [tilespmem:s6], [sflag:$0xB], $0x2000, $0x38;
	[tilespmem:$0x12800] =	vst v63  }
0xff: {  	s0 =	sadd.s32 @p0 $0xFFFFFE80, s31  }
0x100: {  	s0 =	simm.s32 @!p0 $0x180  }
0x101: {  	s0 =	sadd.s32 s3, s0  }
0x102: {  	_ =	swait.ge [sflag:s15], $0x2000;
	s0 =	sshll.u32 s0, $0x3  }
0x103: {  	[sflag:s15] =	ssyncset.done $0x0;
	s0 =	sand.u32 $0x1FFFEC00, s0  }
0x104: {  	s7 =	rddreg [dreg:$0x7];
	[sflag:s15] =	ssyncadd.s32 $0xFFFFE000;
	s0 =	sadd.s32 s2, s0  }
0x105: {  	[hbm4b:s0+s4] =	stream.linear.scatter [tilespmem:s7], [sflag:$0xC], $0x2000, $0x38;
	[tilespmem:$0x12800] =	vst v63  }
0x106: {  	s0 =	sadd.s32 @p0 $0xFFFFFF00, s31  }
0x107: {  	s0 =	simm.s32 @!p0 $0x200  }
0x108: {  	s0 =	sadd.s32 s3, s0  }
0x109: {  	_ =	swait.ge [sflag:s16], $0x2000;
	s0 =	sshll.u32 s0, $0x3  }
0x10a: {  	[sflag:s16] =	ssyncset.done $0x0;
	s0 =	sand.u32 $0x1FFFF000, s0  }
0x10b: {  	s8 =	rddreg [dreg:$0x8];
	[sflag:s16] =	ssyncadd.s32 $0xFFFFE000;
	s0 =	sadd.s32 s2, s0  }
0x10c: {  	[hbm4b:s0+s4] =	stream.linear.scatter [tilespmem:s8], [sflag:$0xD], $0x2000, $0x38;
	[tilespmem:$0x12800] =	vst v63  }
0x10d: {  	s0 =	sadd.s32 @p0 $0xFFFFFF80, s31  }
0x10e: {  	s0 =	simm.s32 @!p0 $0x280  }
0x10f: {  	s0 =	sadd.s32 s3, s0  }
0x110: {  	s31 =	simm.s32 @!p0 $0x300;
	_ =	swait.ge [sflag:s17], $0x2000;
	s0 =	sshll.u32 s0, $0x3  }
0x111: {  	s10 =	sadd.s32 s3, s31;
	[sflag:s17] =	ssyncset.done $0x0;
	s0 =	sand.u32 $0x1FFFF400, s0  }
0x112: {  	s9 =	rddreg [dreg:$0x9];
	[sflag:s17] =	ssyncadd.s32 $0xFFFFE000;
	s0 =	sadd.s32 s2, s0  }
0x113: {  	[hbm4b:s0+s4] =	stream.linear.scatter [tilespmem:s9], [sflag:$0xE], $0x2000, $0x38;
	[tilespmem:$0x12800] =	vst v63  }
0x114: {  	s0 =	sshll.u32 s10, $0x3;
	_ =	swait.ge [sflag:s18], $0x2000  }
0x115: {  	s0 =	sand.u32 $0x1FFFF800, s0;
	[sflag:s18] =	ssyncset.done $0x0  }
0x116: {  	s20 =	rddreg [dreg:$0xa];
	s0 =	sadd.s32 s2, s0;
	[sflag:s18] =	ssyncadd.s32 $0xFFFFE000  }
0x117: {  	[hbm4b:s0+s4] =	stream.linear.scatter [tilespmem:s20], [sflag:$0xF], $0x2000, $0x38;
	[tilespmem:$0x12800] =	vst v63  }
0x118: {  	_ =	swait.ge [sflag:s19], $0x2000  }
0x119: {  	[sflag:s19] =	ssyncset.done $0x0  }
0x11a: {  	s21 =	simm.s32 $0x9;
	[sflag:s19] =	ssyncadd.s32 $0xFFFFE000  }
0x11b: {  	[hbm4b:s30+s4] =	stream.linear.scatter [tilespmem:s11], [sflag:$0x10], $0x2000, $0x38;
	[tilespmem:$0x12800] =	vst v63  }
0x11c: {  	_ =	swait.ge [sflag:s21], $0x2000  }
0x11d: {  	[sflag:s21] =	ssyncset.done $0x0  }
0x11e: {  	s22 =	simm.s32 $0xA;
	[sflag:s21] =	ssyncadd.s32 $0xFFFFE000  }
0x11f: {  	_ =	swait.ge [sflag:s22], $0x2000  }
0x120: {  	[sflag:s22] =	ssyncset.done $0x0  }
0x121: {  	s23 =	simm.s32 $0xB;
	[sflag:s22] =	ssyncadd.s32 $0xFFFFE000  }
0x122: {  	_ =	swait.ge [sflag:s23], $0x2000  }
0x123: {  	[sflag:s23] =	ssyncset.done $0x0  }
0x124: {  	s24 =	simm.s32 $0xC;
	[sflag:s23] =	ssyncadd.s32 $0xFFFFE000  }
0x125: {  	_ =	swait.ge [sflag:s24], $0x2000  }
0x126: {  	[sflag:s24] =	ssyncset.done $0x0  }
0x127: {  	s25 =	simm.s32 $0xD;
	[sflag:s24] =	ssyncadd.s32 $0xFFFFE000  }
0x128: {  	_ =	swait.ge [sflag:s25], $0x2000  }
0x129: {  	[sflag:s25] =	ssyncset.done $0x0  }
0x12a: {  	s26 =	simm.s32 $0xE;
	[sflag:s25] =	ssyncadd.s32 $0xFFFFE000  }
0x12b: {  	_ =	swait.ge [sflag:s26], $0x2000  }
0x12c: {  	[sflag:s26] =	ssyncset.done $0x0  }
0x12d: {  	s28 =	simm.s32 $0xF;
	[sflag:s26] =	ssyncadd.s32 $0xFFFFE000  }
0x12e: {  	_ =	swait.ge [sflag:s28], $0x2000  }
0x12f: {  	[sflag:s28] =	ssyncset.done $0x0  }
0x130: {  	s30 =	simm.s32 $0x10;
	[sflag:s28] =	ssyncadd.s32 $0xFFFFE000  }
0x131: {  	_ =	swait.ge [sflag:s30], $0x2000  }
0x132: {  	s29 =	sadd.s32 $0x1, s29;
	s31 =	rddreg [dreg:$0xc]  }
0x133: {  	p0 =	sne.s32 s29, s31  }
.Ltmp1:
0x134: {  	_ = 	snop;
	(pc) =	sbr.rel @p0 .LBB2_1-.Ltmp1, $3  }
0x135: {  	_ =	sdelay $0x1  }
0x136: {  	[sflag:s30] =	ssyncset.done $0x0  }
0x137: {  	[sflag:s30] =	ssyncadd.s32 $0xFFFFE000  }
0x138: {  	_ =	sfence.sel $0x180000  }
0x139: {  	[bflag:$0x0] =	sbarrier.arrive $0xFFFF  }
0x13a: {  	_ =	strace $0x90000047  }
0x13b: {  	s0 =	stileid.u32;
	[bflag:$0x2] =	sbarrier.arrive $0xFFFF  }
0x13c: {  	p0 =	sne.s32 s0, $0x0;
	s0 =	rddreg [dreg:$0x2]  }
0x13d: {  	s0 =	sadd.s32 @!p0 $0x100000, s0  }
0x13e: {  	[sflag:s0] =	ssyncadd.tile.s32 @!p0 $0x1;
	_ =	shalt  }
.Lfunc_end2:
_tile_overlayer_lowered:
.L_overlay_start_2:
0x13f: {  	(tag) =	ssettag $0x2  }
0x140: {  	s0 =	rddreg [dreg:$0x0];
	s2 =	stileid.u32  }
0x141: {  	s1 =	rddreg [dreg:$0x1];
	p0 =	sne.s32 s2, $0x0  }
0x142: {  	s3 =	rddreg [dreg:$0x2];
	[bflag:$0x3] =	sbarrier.arrive $0xFFFF;
	s2 =	simm.s32 @!p0 $0x1C11  }
0x143: {  	[timem:s3], [sflag:s2] =	dma.local @!p0 [hbm:s0], s1  }
0x144: {  	s0 =	simm.s32 @!p0 $0x11  }
0x145: {  	_ =	swait.ge @!p0 [sflag:s0], s1  }
0x146: {  	s1 =	ssub.s32 @!p0 $0x0, s1;
	[sflag:s0] =	ssyncset.done @!p0 $0x0  }
0x147: {  	[sflag:s0] =	ssyncadd.s32 @!p0 s1  }
0x148: {  	[bflag:$0x3] =	sbarrier.arrive $0xFFFF  }
0x149: {  	_ =	shalt  }

// kernel: sparse-core-data-format-call.cloned.1.call-start
scs
called_computation_lowered:
.L_overlay_start_0:
0x0: {  	s2 =	sld [smem:$0x3FD9]  }
0x1: {  	s3 =	sld [smem:$0x3FFE];
	_ =	sdelay $0x1  }
0x2: {  	s1 =	srdreg.scid  }
0x3: {  	s0 =	sand.u32 $0x1, s1  }
0x4: {  	s18 =	sshll.u32 s0, $0xA;
	s2 =	sadd.s32 s3, s2  }
0x5: {  	s2 =	sadd.s32 s2, s18  }
0x6: {  	[smem:$0x3FC6] =	sst s2  }
0x7: {  	_ = 	snop  }
0x8: {  	s2 =	sld [smem:$0x3FD0];
	(tm) =	ssettm $0x1  }
0x9: {  	s19 =	sld [smem:$0x3FFB];
	_ =	sdelay $0x3  }
0xa: {  	_ =	strace s19  }
0xb: {  	s3 =	sld [smem:$0x3FFC];
	_ =	sdelay $0x3  }
0xc: {  	_ =	strace s3  }
0xd: {  	s3 =	sld [smem:$0x3FFD];
	_ =	sdelay $0x3  }
0xe: {  	_ =	strace s3  }
0xf: {  	_ =	strace $0x8FFFFFFF  }
0x10: {  	s20 =	sld [smem:$0x3FDB];
	_ =	sdelay $0x1  }
0x11: {  	s4 =	simm.s32 $_scs_section_size  }
0x12: {  	s5 =	simm.s32 $_size__tile_overlayer_lowered;
	s6 =	simm.s32 $_tile_overlayer_lowered  }
0x13: {  	s23 =	simm.s32 $0x1BFF;
	s22 =	sshll.u32 s6, $0x1;
	s3 =	sadd.s32 s4, s20  }
0x14: {  	s7 =	simm.s32 $0x0;
	s21 =	sshll.u32 s5, $0x1;
	s5 =	sadd.s32 s22, s3  }
0x15: {  	[timem:s7], [sflag:s23] =	dma.local [hbm:s5], s21  }
0x16: {  	_ =	swait.ge [sflag:s23], s21  }
0x17: {  	s4 =	ssub.s32 $0x0, s21;
	[sflag:s23] =	ssyncset.done $0x0  }
0x18: {  	[sflag:s23] =	ssyncadd.s32 s4;
	_ =	sdelay $0x1  }
0x19: {  	s24 =	simm.s32 $0x1B8B  }
0x1a: {  	_ =	swait.ge [sflag:s24], $0x1  }
0x1b: {  	[sflag:s24] =	ssyncset.done $0x0  }
0x1c: {  	s26 =	simm.s32 $0x1B8E;
	s25 =	sld [smem:$0x3FFE];
	[sflag:s24] =	ssyncadd.s32 $0xFFFFFFFF  }
0x1d: {  	s27 =	simm.s32 $execute0_lowered;
	[smem:$0x3FD2] =	sst s26  }
0x1e: {  	s5 =	sshll.u32 s27, $0x1;
	_ =	strace $0x80000049;
	[dreg:$0x1] =	wrdreg $0xFFFFFFFF  }
0x1f: {  	s28 =	simm.s32 $_size_execute0_lowered;
	s3 =	sadd.s32 s3, s5;
	[dreg:$0x0] =	wrdreg $0x0  }
0x20: {  	s5 =	sshll.u32 s28, $0x1;
	[dreg:$0x2] =	wrdreg s3  }
0x21: {  	[dreg:$0x3] =	wrdreg s5  }
0x22: {  	[dreg:$0x4] =	wrdreg $0xC0  }
0x23: {  	_ =	task [dreg:s7], $0x5FFFF  }
0x24: {  	[dreg:$0x1] =	wrdreg $0xFFFFFFFF  }
0x25: {  	[dreg:$0x0] =	wrdreg $0x60  }
0x26: {  	[dreg:$0x2] =	wrdreg s25  }
0x27: {  	[dreg:$0x3] =	wrdreg s2  }
0x28: {  	[dreg:$0x4] =	wrdreg $0x9  }
0x29: {  	_ =	task.clear_ibuf [dreg:s7], $0x5FFFF;
	_ =	strace $0x90000049  }
0x2a: {  	s29 =	simm.s32 $0x9;
	_ =	strace $0x8000004B  }
0x2b: {  	_ =	swait.ge [sflag:s29], $0x1  }
0x2c: {  	[sflag:s29] =	ssyncadd.s32 $0xFFFFFFFF  }
0x2d: {  	_ =	strace $0x9000004B  }
0x2e: {  	_ =	sfence  }
0x2f: {  	s30 =	sld [smem:$0x0];
	_ =	sdelay $0x2  }
0x30: {  	s31 =	sshll.u32 s1, $0xD;
	s1 =	sshrl.u32 s1, $0x2  }
0x31: {  	s3 =	sand.u32 $0x4000, s31;
	s1 =	sadd.s32 s1, s30  }
0x32: {  	s0 =	sor.u32 s3, s0;
	s1 =	sshll.u32 s1, $0x11  }
0x33: {  	s0 =	sor.u32 s1, s0  }
0x34: {  	s0 =	sadd.s32 $0x8F2B, s0  }
0x35: {  	[sflag:s0] =	ssyncadd.remote.s32 $0x1  }
0x36: {  	_ =	sfence.sel $0xFFFF  }
0x37: {  	[dreg:$0x0] =	wrdreg $0xFFFFFFFF;
	(pc) =	sbr.abs _section_cstart, $3  }
0x38: {  	[dreg:$0x1] =	wrdreg $0xFFFFFFFF  }
0x39: {  	_ =	task.clear_ibuf [dreg:s7], $0x2FFFF;
	_ =	strace $0x9FFFFFFF  }
0x3a: {  	(tm) =	ssettm $0x7FFFFFFF  }
0x3b: {  	_ =	shalt  }
tec
execute0_lowered:
.L_overlay_start_1:
0x0: {  	(tag) =	ssettag $0x1  }
0x1: {  	s0 =	srdreg.scid  }
0x2: {  	s1 =	sshll.u32 s0, $0x4  }
0x3: {  	s0 =	stileid.u32;
	s1 =	sand.u32 $0x10, s1  }
0x4: {  	s1 =	sor.u32 s0, s1  }
0x5: {  	s6 =	rddreg [dreg:$0x0];
	s4 =	simm.s32 $0x1;
	s2 =	sshll.u32 s1, $0x7  }
0x6: {  	s7 =	simm.s32 $0x2;
	s12 =	simm.s32 $0x0;
	s1 =	ssub.s32 $0x4000, s2  }
0x7: {  	s8 =	simm.s32 $0x20000;
	s13 =	simm.s32 $0x0;
	s3 =	sand.u32 $0xF80, s1  }
0x8: {  	s9 =	simm.s32 $0x0;
	s5 =	sshrl.u32 s1, $0xC;
	p0 =	sne.s32 s3, $0x0  }
.Ltmp0:
0x9: {  	s1 =	rddreg [dreg:$0x2];
	s4 =	simm.s32 @!p0 $0x0;
	(pc) =	sbr.rel .LBB1_1-.Ltmp0, $4  }
0xa: {  	s11 =	simm.s32 $0x0;
	s3 =	rddreg [dreg:$0x1];
	s5 =	sadd.s32 s4, s5  }
0xb: {  	_ =	strace $0x8000004A;
	s4 =	simm.s32 $0x1;
	s5 =	smul.u32 $0x14, s5  }
0xc: {  	s6 =	sadd.s32 $0xA00, s6;
	s10 =	smov.u32 s2;
	[sflag:s4] =	ssyncpa.u1 $0x0  }
0xd: {  	p0 =	por $0x0, $0x0;
	[sflag:s7] =	ssyncpa.u1 $0x0;
	s7 =	sor.u32 $0x1, s5  }
.LBB1_4:
0xe: {  	s16 =	sshll.u32 s13, $0x3;
	s17 =	sand.u32 $0x78, s13  }
0xf: {  	s30 =	sand.u32 $0x1F800, s13;
	s12 =	sshll.u32 s12, $0x11;
	s16 =	sand.u32 $0x3C00, s16  }
0x10: {  	[tilespmem:s15+$0x810 ss:$0x81] =	vst.msk $0xffff, v2;
	s31 =	sand.u32 $0x7, s13;
	s16 =	sor.u32 s17, s16;
	s17 =	sadd.s32 s3, s30  }
0x11: {  	[tilespmem:s15+$0x1020 ss:$0x81] =	vst.msk $0xffff, v0;
	s13 =	sshll.u32 s31, $0x12;
	s12 =	sadd.s32 s12, s17;
	s16 =	sshrl.u32 s16, $0x3  }
0x12: {  	[tilespmem:s15+$0x0 ss:$0x81] =	vst.msk $0xffff, v1;
	s13 =	sor.u32 $0x400, s13;
	s12 =	sadd.s32 s16, s12  }
0x13: {  	[hbm4b:s12+s13] =	stream.strided.scatter [tilespmem:s14], [sflag:$0x2], $0x2000, s8, s13, $0x20;
	[tilespmem:$0x8080] =	vst v63  }
.LBB1_5:
0x14: {  	s14 =	sadd.s32 $0x1, s9  }
0x15: {  	s12 =	sadd.s32 $0x1000, s10;
	s16 =	smov.u32 s10;
	p2 =	sgt.s32 s14, $0x13  }
0x16: {  	s16 =	smov.u32 @p2 s12  }
0x17: {  	s14 =	simm.s32 @p2 $0x0;
	p2 =	sgt.s32 s16, $0x3FFF  }
0x18: {  	s16 =	smov.u32 @p2 s2;
	p2 =	sne.s32 s11, s7  }
.Ltmp1:
0x19: {  	p1 =	slt.u32 s11, $0x2;
	(pc) =	sbr.rel @!p2 .LBB1_6-.Ltmp1, $4  }
0x1a: {  	s15 =	simm.s32 @!p1 $0x2  }
0x1b: {  	s13 =	smov.u32 s10;
	p0 =	por !p0, !p0;
	_ =	swait.ge @!p1 [sflag:s15], $0x2000  }
0x1c: {  	s12 =	smov.u32 s9;
	[sflag:s15] =	ssyncset.done @!p1 $0x0;
	s9 =	smov.u32 s14  }
0x1d: {  	s11 =	sadd.s32 $0x1, s11;
	[sflag:s15] =	ssyncadd.s32 @!p1 $0xFFFFE000;
	s10 =	smov.u32 s16  }
.LBB1_1:
0x1e: {  	p1 =	sge.u32 s11, s5  }
0x1f: {  	s14 =	sand.u32 @!p1 $0x1FFFFFF, s9  }
0x20: {  	s15 =	smulhi.u32 @!p1 $0xAAAAAAB, s14;
	_ =	sdelay $0x1  }
0x21: {  	s15 =	smul.u32 @!p1 $0x18, s15  }
0x22: {  	s16 =	sxor.u32 @!p1 $0xFFFFFFFF, s11;
	s17 =	smul.u32 @!p1 $0x180, s10  }
0x23: {  	s31 =	sadd.s32 $0xFFFFFFFF, s11;
	s16 =	sshll.u32 @!p1 s16, $0xD;
	s14 =	ssub.s32 @!p1 s14, s15  }
0x24: {  	s15 =	sand.u32 @!p1 $0x2000, s16;
	s16 =	sadd.s32 @!p1 s6, s17;
	s14 =	sshll.u32 @!p1 s14, $0x4  }
0x25: {  	s17 =	simm.s32 @!p1 $0xC00;
	s14 =	sadd.s32 @!p1 s14, s16;
	s16 =	simm.s32 @!p1 $0x40  }
0x26: {  	[tilespmem:s15], [sflag:$0x1] =	stream.strided.gather @!p1 [hbm4b:s14+s16], $0x2000, s17, s16, $0x38;
	[tilespmem:$0x8080] =	vst v63  }
0x27: {  	p1 =	sge.u32 s31, s5  }
.Ltmp2:
0x28: {  	_ = 	snop;
	(pc) =	sbr.rel @p1 .LBB1_5-.Ltmp2, $1  }
0x29: {  	_ =	sdelay $0x3  }
0x2a: {  	s14 =	simm.s32 $0x1  }
0x2b: {  	_ =	swait.ge [sflag:s4], $0x2000;
	s14 =	simm.s32 @!p0 $0x0  }
0x2c: {  	[sflag:s4] =	ssyncset.done $0x0;
	s15 =	sshll.u32 s14, $0xD  }
0x2d: {  	[sflag:s4] =	ssyncadd.s32 $0xFFFFE000;
	s18 =	sor.u32 $0x20, s15  }
0x2e: {  	s14 =	smul.u32 $0x8100, s14;
	v3 =	vld [tilespmem:s18+$0x10]  }
0x2f: {  	s30 =	sand.u32 $0x1, s11;
	v2 =	vld [tilespmem:s18+$0xFFFFFFF0]  }
0x30: {  	s15 =	smul.u32 $0x8100, s30;
	s14 =	sshrl.u32 s14, $0x2;
	v0 =	vld [tilespmem:s18+$0x0]  }
0x31: {  	v1 =	vld [tilespmem:s18+$0xFFFFFFE0];
	s16 =	sor.u32 $0x4000, s14  }
0x32: {  	s31 =	sshrl.u32 s15, $0x2;
	s15 =	sadd.s32 $0x0, s16  }
0x33: {  	s17 =	simm.s32 $0x4;
	s18 =	sadd.s32 $0x40, s18;
	s14 =	sor.u32 $0x4000, s31;
	[tilespmem:s15+$0x1830 ss:$0x81] =	vst.msk $0xffff, v3  }
.LBB1_3:
0x34: {  	v3 =	vld [tilespmem:s18+$0x10];
	p1 =	sne.s32 s17, $0x1FC;
	[tilespmem:s15+$0x810 ss:$0x81] =	vst.msk $0xffff, v2;
	s19 =	smov.u32 s17;
	s17 =	sadd.s32 $0x4, s17  }
.Ltmp3:
0x35: {  	v2 =	vld [tilespmem:s18+$0xFFFFFFF0];
	[tilespmem:s15+$0x1020 ss:$0x81] =	vst.msk $0xffff, v0;
	(pc) =	sbr.rel @p1 .LBB1_3-.Ltmp3, $4  }
0x36: {  	v0 =	vld [tilespmem:s18+$0x0];
	[tilespmem:s15+$0x0 ss:$0x81] =	vst.msk $0xffff, v1  }
0x37: {  	s15 =	sshra.s32 s19, $0x2;
	v1 =	vld [tilespmem:s18+$0xFFFFFFE0]  }
0x38: {  	s15 =	sadd.s32 s15, s16  }
0x39: {  	s18 =	sadd.s32 $0x40, s18;
	[tilespmem:s15+$0x1830 ss:$0x81] =	vst.msk $0xffff, v3  }
.Ltmp4:
0x3a: {  	_ = 	snop;
	(pc) =	sbr.rel .LBB1_4-.Ltmp4, $1  }
0x3b: {  	_ =	sdelay $0x3  }
.LBB1_6:
0x3c: {  	_ =	sfence.sel $0x180000  }
0x3d: {  	s2 =	simm.s32 $0x1;
	[bflag:$0x0] =	sbarrier.arrive $0xFFFF  }
0x3e: {  	s31 =	simm.s32 $0x2;
	[sflag:s2] =	ssyncpa.u1 $0x1  }
0x3f: {  	[sflag:s31] =	ssyncpa.u1 $0x1  }
0x40: {  	p0 =	sne.s32 s0, $0x0;
	_ =	strace $0x9000004A  }
0x41: {  	s0 =	sadd.s32 @!p0 $0x100000, s1;
	[bflag:$0x2] =	sbarrier.arrive $0xFFFF  }
0x42: {  	[sflag:s0] =	ssyncadd.tile.s32 @!p0 $0x1;
	_ =	shalt  }
.Lfunc_end1:
_tile_overlayer_lowered:
.L_overlay_start_2:
0x43: {  	(tag) =	ssettag $0x2  }
0x44: {  	s0 =	rddreg [dreg:$0x0];
	s2 =	stileid.u32  }
0x45: {  	s1 =	rddreg [dreg:$0x1];
	p0 =	sne.s32 s2, $0x0  }
0x46: {  	s3 =	rddreg [dreg:$0x2];
	[bflag:$0x3] =	sbarrier.arrive $0xFFFF;
	s2 =	simm.s32 @!p0 $0x1C01  }
0x47: {  	[timem:s3], [sflag:s2] =	dma.local @!p0 [hbm:s0], s1  }
0x48: {  	s0 =	simm.s32 @!p0 $0x1  }
0x49: {  	_ =	swait.ge @!p0 [sflag:s0], s1  }
0x4a: {  	s1 =	ssub.s32 @!p0 $0x0, s1;
	[sflag:s0] =	ssyncset.done @!p0 $0x0  }
0x4b: {  	[sflag:s0] =	ssyncadd.s32 @!p0 s1  }
0x4c: {  	[bflag:$0x3] =	sbarrier.arrive $0xFFFF  }
0x4d: {  	_ =	shalt  }

</sc_bundles>
